<compile_context>
chip_gen: v7x
topology: tpu7x:2x2x1
jax: 0.10.2.dev20260603
libtpu: 0.0.44.dev20260713+nightly
codegen_flags: <defaults>
</compile_context>

<pallas_src>
import jax
import jax.numpy as jnp
from jax.experimental import pallas as pl
from jax.experimental.pallas import tpu as pltpu
from jax.experimental.pallas import tpu_sc as plsc

V = 8192
C = 64
K = 16
TR = 1024
CH = 1024
NR = V // TR
NCH = V // CH
IDXMASK = 8191
VALMASK = ~8191

UNITS = 32
RPU = V // UNITS
W = 128


def _argmin_body(a_ref, b_ref, cio_ref, te_ref, pe_ref,
                 t2p_ref, p2t_ref, cat_ref, colbest_ref):
    i = pl.program_id(0)
    cat_ref[:, 0:C] = te_ref[...]
    cat_ref[:, C:2 * C] = pe_ref[...]

    @pl.when(i == 0)
    def _():
        colbest_ref[...] = jnp.full((1, V), jnp.inf, jnp.float32)

    a = a_ref[...]
    rio = jax.lax.broadcasted_iota(jnp.int32, (TR, CH), 0) | (i * TR)
    best = None
    for j in range(NCH):
        d = jnp.dot(a, b_ref[:, j * CH:(j + 1) * CH],
                    preferred_element_type=jnp.float32)
        dbits = jax.lax.bitcast_convert_type(d, jnp.int32)
        masked = dbits & VALMASK
        rowp = jax.lax.bitcast_convert_type(
            masked | cio_ref[:, j * CH:(j + 1) * CH], jnp.float32)
        colp = jax.lax.bitcast_convert_type(masked | rio, jnp.float32)
        m = rowp[:, 0:128]
        for k in range(1, CH // 128):
            m = jnp.minimum(m, rowp[:, k * 128:(k + 1) * 128])
        best = m if j == 0 else jnp.minimum(best, m)
        cm = jnp.min(colp, axis=0, keepdims=True)
        colbest_ref[:, j * CH:(j + 1) * CH] = jnp.minimum(
            cm, colbest_ref[:, j * CH:(j + 1) * CH])

    bfin = jnp.min(best, axis=1, keepdims=True)
    bi = jax.lax.bitcast_convert_type(bfin, jnp.int32) & IDXMASK
    t2p_ref[...] = bi.reshape(1, TR, 1)

    @pl.when(i == NR - 1)
    def _():
        p2t_ref[...] = jax.lax.bitcast_convert_type(
            colbest_ref[...], jnp.int32) & IDXMASK


def _dual_argmin(a_pack, b_pack, cio, te, pe):
    return pl.pallas_call(
        _argmin_body,
        grid=(NR,),
        in_specs=[
            pl.BlockSpec((TR, K), lambda i: (i, 0)),
            pl.BlockSpec((K, V), lambda i: (0, 0)),
            pl.BlockSpec((1, V), lambda i: (0, 0)),
            pl.BlockSpec((TR, C), lambda i: (i, 0)),
            pl.BlockSpec((TR, C), lambda i: (i, 0)),
        ],
        out_specs=[
            pl.BlockSpec((1, TR, 1), lambda i: (i, 0, 0)),
            pl.BlockSpec((1, V), lambda i: (0, 0)),
            pl.BlockSpec((TR, 2 * C), lambda i: (i, 0)),
        ],
        out_shape=[
            jax.ShapeDtypeStruct((NR, TR, 1), jnp.int32),
            jax.ShapeDtypeStruct((1, V), jnp.int32),
            jax.ShapeDtypeStruct((V, 2 * C), jnp.float32),
        ],
        scratch_shapes=[pltpu.VMEM((1, V), jnp.float32)],
    )(a_pack, b_pack, cio, te, pe)


def _sc_gather_mse(cat, t2p, p2t):
    mesh = plsc.VectorSubcoreMesh(core_axis_name="c", subcore_axis_name="s")

    @pl.kernel(
        out_type=jax.ShapeDtypeStruct((UNITS, 16), jnp.float32),
        mesh=mesh,
        scratch_types=[
            pltpu.VMEM((RPU,), jnp.int32),
            pltpu.VMEM((RPU,), jnp.int32),
            pltpu.VMEM((RPU, 2 * C), jnp.float32),
            pltpu.VMEM((RPU, 2 * C), jnp.float32),
            pltpu.VMEM((RPU, 2 * C), jnp.float32),
            pltpu.VMEM((1, 16), jnp.float32),
            pltpu.SemaphoreType.DMA,
            pltpu.SemaphoreType.DMA,
            pltpu.SemaphoreType.DMA,
            pltpu.SemaphoreType.DMA,
        ],
    )
    def body(cat_hbm, t2p_hbm, p2t_hbm, o_hbm,
             idx1_v, idx2_v, ref_v, gat1_v, gat2_v, acc_v,
             sem_i1, sem_i2, sem_r, sem_g):
        core = jax.lax.axis_index("c")
        sub = jax.lax.axis_index("s")
        unit = core * 16 + sub
        start = unit * RPU
        cp_i1 = pltpu.async_copy(t2p_hbm.at[0, pl.ds(start, RPU)],
                                 idx1_v, sem_i1)
        cp_i2 = pltpu.async_copy(p2t_hbm.at[0, pl.ds(start, RPU)],
                                 idx2_v, sem_i2)
        cp_r = pltpu.async_copy(cat_hbm.at[pl.ds(start, RPU)], ref_v, sem_r)
        acc_v[...] = jnp.zeros((1, 16), jnp.float32)
        cp_i1.wait()
        cg1 = pltpu.async_copy(cat_hbm.at[idx1_v], gat1_v, sem_g)
        cp_i2.wait()
        cg2 = pltpu.async_copy(cat_hbm.at[idx2_v], gat2_v, sem_i2)
        cp_r.wait()

        def dir_sum(gat_ref, goff, aoff):
            def row(r, acc):
                out = []
                for k in range(4):
                    dd = (gat_ref[r, pl.ds(goff + 16 * k, 16)]
                          - ref_v[r, pl.ds(aoff + 16 * k, 16)])
                    out.append(acc[k] + dd * dd)
                return tuple(out)

            z = jnp.zeros((16,), jnp.float32)
            a0, a1, a2, a3 = jax.lax.fori_loop(0, RPU, row, (z, z, z, z))
            return (a0 + a1) + (a2 + a3)

        cg1.wait()
        s1 = dir_sum(gat1_v, C, 0)
        cg2.wait()
        s2 = dir_sum(gat2_v, 0, C)
        acc_v[0, :] = s1 + s2
        pltpu.sync_copy(acc_v, o_hbm.at[pl.ds(unit, 1)])

    return body(cat, t2p, p2t)


def _split_hi_lo(x):
    hi = x.astype(jnp.bfloat16)
    lo = (x - hi.astype(jnp.float32)).astype(jnp.bfloat16)
    return hi, lo


def _split3(x):
    hi = x.astype(jnp.bfloat16)
    r = x - hi.astype(jnp.float32)
    mid = r.astype(jnp.bfloat16)
    lo = (r - mid.astype(jnp.float32)).astype(jnp.bfloat16)
    return hi, mid, lo


def kernel(pred_vertices, trg_vertices, pred_e, trg_e):
    a = trg_vertices[0]
    b = pred_vertices[0]
    pe = pred_e[0]
    te = trg_e[0]

    na = -2.0 * a
    nahi, nalo = _split_hi_lo(na)
    bhi, blo = _split_hi_lo(b)
    one = jnp.ones((V, 1), jnp.bfloat16)

    b2 = jnp.sum(b * b, axis=1)
    b2h, b2m, b2l = _split3(b2)
    a2 = jnp.sum(a * a, axis=1)
    a2h, a2m, a2l = _split3(a2)

    a_pack = jnp.concatenate(
        [nahi, nalo, nahi, one, one, one,
         a2h[:, None], a2m[:, None], a2l[:, None],
         jnp.zeros((V, K - 15), jnp.bfloat16)], axis=1)
    b_pack = jnp.concatenate(
        [bhi.T, bhi.T, blo.T, b2h[None, :], b2m[None, :], b2l[None, :],
         jnp.ones((3, V), jnp.bfloat16),
         jnp.zeros((K - 15, V), jnp.bfloat16)], axis=0)

    cio = jnp.arange(V, dtype=jnp.int32)[None, :]
    t2p_blk, p2t, cat = _dual_argmin(a_pack, b_pack, cio, te, pe)
    t2p = t2p_blk.reshape(1, V)

    partials = _sc_gather_mse(cat, t2p, p2t)
    return jnp.sum(partials) * (1.0 / (V * C))

# --- scband reference (transcript-rebuilt; emitter-appended) ---
"""Pipeline reference for scband-chamfer-loss-ef-82008105549924 (READ-ONLY COPY).

The authoritative reference and input builder live on the scoring server;
editing this copy changes nothing except your own understanding.
"""

import jax, jax.numpy as jnp
import numpy as np


def setup_inputs(seed: int = 0) -> dict:
    key = jax.random.key(seed)
    k1, k2, k3, k4 = jax.random.split(key, 4)
    N, V, C = 1, 8192, 64
    return {
        "pred_vertices": jax.random.normal(k1, (N, V, 3), dtype=jnp.float32),
        "trg_vertices": jax.random.normal(k2, (N, V, 3), dtype=jnp.float32),
        "pred_e": jax.random.normal(k3, (N, V, C), dtype=jnp.float32),
        "trg_e": jax.random.normal(k4, (N, V, C), dtype=jnp.float32),
    }


def _knn1_idx(a, b):
    # For each point in a[N,V,3], index of nearest neighbor in b[N,V,3].
    # Squared-distance expansion to keep memory at [N,V,V] and use matmul.
    a2 = jnp.sum(a * a, axis=-1)  # [N, Va]
    b2 = jnp.sum(b * b, axis=-1)  # [N, Vb]
    d = a2[:, :, None] + b2[:, None, :] - 2.0 * jnp.einsum('nid,njd->nij', a, b)
    return jnp.argmin(d, axis=-1)  # [N, Va]


def reference(pred_vertices, trg_vertices, pred_e, trg_e):
    # knn_points(trg, pred, K=1).idx -> nearest pred vertex per trg vertex (no grad)
    trg2pred_idx = jax.lax.stop_gradient(_knn1_idx(trg_vertices, pred_vertices))  # [N, V]
    pred2trg_idx = jax.lax.stop_gradient(_knn1_idx(pred_vertices, trg_vertices))  # [N, V]
    # Original torch code squeezes the K dim; with N==1 the batch dim also squeezes -> [V]
    t2p = trg2pred_idx[0]
    p2t = pred2trg_idx[0]
    loss_trg2pred = jnp.mean((trg_e - jnp.take(pred_e, t2p, axis=1)) ** 2)
    loss_pred2trg = jnp.mean((pred_e - jnp.take(trg_e, p2t, axis=1)) ** 2)
    return loss_trg2pred + loss_pred2trg

if __name__ == "__main__":
    import jax
    _d = setup_inputs()
    print(jax.jit(kernel)(*tuple(_d.values())))

</pallas_src>

<mosaic_0001>
#map = affine_map<(d0, d1) -> (0, 0)>
module attributes {stable_mosaic.version = 14 : i64} {
  func.func @body(%arg0: i32, %arg1: i32, %arg2: memref<8192x128xf32, #tpu.memory_space<hbm>>, %arg3: memref<1x8192xi32, #tpu.memory_space<hbm>>, %arg4: memref<1x8192xi32, #tpu.memory_space<hbm>>, %arg5: memref<32x16xf32, #tpu.memory_space<hbm>>, %arg6: memref<256xi32, #tpu.memory_space<vmem>>, %arg7: memref<256xi32, #tpu.memory_space<vmem>>, %arg8: memref<256x128xf32, #tpu.memory_space<vmem>>, %arg9: memref<256x128xf32, #tpu.memory_space<vmem>>, %arg10: memref<256x128xf32, #tpu.memory_space<vmem>>, %arg11: memref<1x16xf32, #tpu.memory_space<vmem>>, %arg12: memref<!tpu.dma_semaphore, #tpu.memory_space<semaphore_mem>>, %arg13: memref<!tpu.dma_semaphore, #tpu.memory_space<semaphore_mem>>, %arg14: memref<!tpu.dma_semaphore, #tpu.memory_space<semaphore_mem>>, %arg15: memref<!tpu.dma_semaphore, #tpu.memory_space<semaphore_mem>>) attributes {dimension_semantics = [#tpu.dimension_semantics<core_parallel>, #tpu.dimension_semantics<subcore_parallel>], iteration_bounds = array<i64: 2, 16>, scalar_prefetch = 0 : i64, scratch_operands = 10 : i64, tpu.core_type = #tpu.core_type<sc_vector_subcore>, window_params = [{transform_indices = #map}, {transform_indices = #map}, {transform_indices = #map}, {transform_indices = #map}]} {
    %mul3A = arith.constant 16 : i32
    %mul3A_0 = arith.muli %arg0, %mul3A : i32
    %add3A = arith.addi %mul3A_0, %arg1 : i32
    %mul3A_1 = arith.constant 256 : i32
    %mul3A_2 = arith.muli %add3A, %mul3A_1 : i32
    %dma_start3A = arith.constant 0 : i32
    %dma_start3A_3 = tpu.memref_slice %arg3[%dma_start3A, %mul3A_2] : memref<1x8192xi32, #tpu.memory_space<hbm>> -> memref<1x256xi32, #tpu.memory_space<hbm>>
    %dma_start3A_4 = tpu.memref_squeeze %dma_start3A_3 : memref<1x256xi32, #tpu.memory_space<hbm>> -> memref<256xi32, #tpu.memory_space<hbm>>
    %dma_start3A_5 = tpu.memref_slice %arg3[%dma_start3A, %mul3A_2] : memref<1x8192xi32, #tpu.memory_space<hbm>> -> memref<1x256xi32, #tpu.memory_space<hbm>>
    %dma_start3A_6 = tpu.memref_squeeze %dma_start3A_5 : memref<1x256xi32, #tpu.memory_space<hbm>> -> memref<256xi32, #tpu.memory_space<hbm>>
    tpu.enqueue_dma source(%dma_start3A_6 : memref<256xi32, #tpu.memory_space<hbm>>) target(%arg6 : memref<256xi32, #tpu.memory_space<vmem>>) target_semaphore(%arg12 : memref<!tpu.dma_semaphore, #tpu.memory_space<semaphore_mem>>)
    %dma_start3A_7 = arith.constant 0 : i32
    %dma_start3A_8 = tpu.memref_slice %arg4[%dma_start3A_7, %mul3A_2] : memref<1x8192xi32, #tpu.memory_space<hbm>> -> memref<1x256xi32, #tpu.memory_space<hbm>>
    %dma_start3A_9 = tpu.memref_squeeze %dma_start3A_8 : memref<1x256xi32, #tpu.memory_space<hbm>> -> memref<256xi32, #tpu.memory_space<hbm>>
    %dma_start3A_10 = tpu.memref_slice %arg4[%dma_start3A_7, %mul3A_2] : memref<1x8192xi32, #tpu.memory_space<hbm>> -> memref<1x256xi32, #tpu.memory_space<hbm>>
    %dma_start3A_11 = tpu.memref_squeeze %dma_start3A_10 : memref<1x256xi32, #tpu.memory_space<hbm>> -> memref<256xi32, #tpu.memory_space<hbm>>
    tpu.enqueue_dma source(%dma_start3A_11 : memref<256xi32, #tpu.memory_space<hbm>>) target(%arg7 : memref<256xi32, #tpu.memory_space<vmem>>) target_semaphore(%arg13 : memref<!tpu.dma_semaphore, #tpu.memory_space<semaphore_mem>>)
    %dma_start3A_12 = arith.constant 0 : i32
    %dma_start3A_13 = tpu.memref_slice %arg2[%mul3A_2, %dma_start3A_12] : memref<8192x128xf32, #tpu.memory_space<hbm>> -> memref<256x128xf32, #tpu.memory_space<hbm>>
    %dma_start3A_14 = arith.constant 0 : i32
    %dma_start3A_15 = tpu.memref_slice %arg2[%mul3A_2, %dma_start3A_14] : memref<8192x128xf32, #tpu.memory_space<hbm>> -> memref<256x128xf32, #tpu.memory_space<hbm>>
    tpu.enqueue_dma source(%dma_start3A_15 : memref<256x128xf32, #tpu.memory_space<hbm>>) target(%arg8 : memref<256x128xf32, #tpu.memory_space<vmem>>) target_semaphore(%arg14 : memref<!tpu.dma_semaphore, #tpu.memory_space<semaphore_mem>>)
    %broadcast_in_dim3A = arith.constant 0.000000e+00 : f32
    %broadcast_in_dim3A_16 = vector.broadcast %broadcast_in_dim3A : f32 to vector<1x16xf32>
    %swap3A = arith.constant 0 : index
    %swap3A_17 = arith.constant 0 : index
    %swap3A_18 = tpu.vector_load %arg11[%swap3A, %swap3A_17] {strides = array<i32>} : memref<1x16xf32, #tpu.memory_space<vmem>>, vector<1x16xf32>,
    %swap3A_19 = vector.shape_cast %swap3A_18 : vector<1x16xf32> to vector<1x16xf32>
    %swap3A_20 = vector.shape_cast %broadcast_in_dim3A_16 : vector<1x16xf32> to vector<1x16xf32>
    tpu.vector_store %arg11[%swap3A, %swap3A_17], %swap3A_20 {strides = array<i32>} : memref<1x16xf32, #tpu.memory_space<vmem>>, vector<1x16xf32>,
    %dma_wait3A = arith.constant 0 : i32
    %dma_wait3A_21 = tpu.memref_slice %arg3[%dma_wait3A, %mul3A_2] : memref<1x8192xi32, #tpu.memory_space<hbm>> -> memref<1x256xi32, #tpu.memory_space<hbm>>
    %dma_wait3A_22 = tpu.memref_squeeze %dma_wait3A_21 : memref<1x256xi32, #tpu.memory_space<hbm>> -> memref<256xi32, #tpu.memory_space<hbm>>
    %dma_wait3A_23 = tpu.memref_slice %arg3[%dma_wait3A, %mul3A_2] : memref<1x8192xi32, #tpu.memory_space<hbm>> -> memref<1x256xi32, #tpu.memory_space<hbm>>
    %dma_wait3A_24 = tpu.memref_squeeze %dma_wait3A_23 : memref<1x256xi32, #tpu.memory_space<hbm>> -> memref<256xi32, #tpu.memory_space<hbm>>
    tpu.wait_dma2 semaphore(%arg12 : memref<!tpu.dma_semaphore, #tpu.memory_space<semaphore_mem>>) src(%dma_wait3A_24 : memref<256xi32, #tpu.memory_space<hbm>>) dst(%arg6 : memref<256xi32, #tpu.memory_space<vmem>>)
    %dma_start3A_25 = arith.constant 0 : i32
    %dma_start3A_26 = arith.constant 0 : i32
    %dma_start3A_27 = tpu.memref_slice %arg2[%dma_start3A_25, %dma_start3A_26] : memref<8192x128xf32, #tpu.memory_space<hbm>> -> memref<8192x128xf32, #tpu.memory_space<hbm>>
    tpu.enqueue_indirect_dma source(%dma_start3A_27 : memref<8192x128xf32, #tpu.memory_space<hbm>>) target(%arg9 : memref<256x128xf32, #tpu.memory_space<vmem>>) offsets(%arg6 : memref<256xi32, #tpu.memory_space<vmem>>) semaphore(%arg15 : memref<!tpu.dma_semaphore, #tpu.memory_space<semaphore_mem>>)
    %dma_wait3A_28 = arith.constant 0 : i32
    %dma_wait3A_29 = tpu.memref_slice %arg4[%dma_wait3A_28, %mul3A_2] : memref<1x8192xi32, #tpu.memory_space<hbm>> -> memref<1x256xi32, #tpu.memory_space<hbm>>
    %dma_wait3A_30 = tpu.memref_squeeze %dma_wait3A_29 : memref<1x256xi32, #tpu.memory_space<hbm>> -> memref<256xi32, #tpu.memory_space<hbm>>
    %dma_wait3A_31 = tpu.memref_slice %arg4[%dma_wait3A_28, %mul3A_2] : memref<1x8192xi32, #tpu.memory_space<hbm>> -> memref<1x256xi32, #tpu.memory_space<hbm>>
    %dma_wait3A_32 = tpu.memref_squeeze %dma_wait3A_31 : memref<1x256xi32, #tpu.memory_space<hbm>> -> memref<256xi32, #tpu.memory_space<hbm>>
    tpu.wait_dma2 semaphore(%arg13 : memref<!tpu.dma_semaphore, #tpu.memory_space<semaphore_mem>>) src(%dma_wait3A_32 : memref<256xi32, #tpu.memory_space<hbm>>) dst(%arg7 : memref<256xi32, #tpu.memory_space<vmem>>)
    %dma_start3A_33 = arith.constant 0 : i32
    %dma_start3A_34 = arith.constant 0 : i32
    %dma_start3A_35 = tpu.memref_slice %arg2[%dma_start3A_33, %dma_start3A_34] : memref<8192x128xf32, #tpu.memory_space<hbm>> -> memref<8192x128xf32, #tpu.memory_space<hbm>>
    tpu.enqueue_indirect_dma source(%dma_start3A_35 : memref<8192x128xf32, #tpu.memory_space<hbm>>) target(%arg10 : memref<256x128xf32, #tpu.memory_space<vmem>>) offsets(%arg7 : memref<256xi32, #tpu.memory_space<vmem>>) semaphore(%arg13 : memref<!tpu.dma_semaphore, #tpu.memory_space<semaphore_mem>>)
    %dma_wait3A_36 = arith.constant 0 : i32
    %dma_wait3A_37 = tpu.memref_slice %arg2[%mul3A_2, %dma_wait3A_36] : memref<8192x128xf32, #tpu.memory_space<hbm>> -> memref<256x128xf32, #tpu.memory_space<hbm>>
    %dma_wait3A_38 = arith.constant 0 : i32
    %dma_wait3A_39 = tpu.memref_slice %arg2[%mul3A_2, %dma_wait3A_38] : memref<8192x128xf32, #tpu.memory_space<hbm>> -> memref<256x128xf32, #tpu.memory_space<hbm>>
    tpu.wait_dma2 semaphore(%arg14 : memref<!tpu.dma_semaphore, #tpu.memory_space<semaphore_mem>>) src(%dma_wait3A_39 : memref<256x128xf32, #tpu.memory_space<hbm>>) dst(%arg8 : memref<256x128xf32, #tpu.memory_space<vmem>>)
    %dma_wait3A_40 = arith.constant 0 : i32
    %dma_wait3A_41 = arith.constant 0 : i32
    %dma_wait3A_42 = tpu.memref_slice %arg2[%dma_wait3A_40, %dma_wait3A_41] : memref<8192x128xf32, #tpu.memory_space<hbm>> -> memref<8192x128xf32, #tpu.memory_space<hbm>>
    tpu.wait_indirect_dma semaphore(%arg15 : memref<!tpu.dma_semaphore, #tpu.memory_space<semaphore_mem>>) src(%dma_wait3A_42 : memref<8192x128xf32, #tpu.memory_space<hbm>>) dst(%arg9 : memref<256x128xf32, #tpu.memory_space<vmem>>)
    %broadcast_in_dim3A_43 = arith.constant 0.000000e+00 : f32
    %broadcast_in_dim3A_44 = vector.broadcast %broadcast_in_dim3A_43 : f32 to vector<16xf32>
    %scan3A = arith.constant 0 : i32
    %scan3A_45 = arith.constant 256 : i32
    %scan3A_46 = arith.addi %scan3A, %scan3A_45 : i32
    %scan3A_47 = arith.constant 1 : i32
    %scan3A_48:4 = scf.for %scan3A_74 = %scan3A to %scan3A_46 step %scan3A_47 iter_args(%scan3A_75 = %broadcast_in_dim3A_44, %scan3A_76 = %broadcast_in_dim3A_44, %scan3A_77 = %broadcast_in_dim3A_44, %scan3A_78 = %broadcast_in_dim3A_44) -> (vector<16xf32>, vector<16xf32>, vector<16xf32>, vector<16xf32>)  : i32 {
      %get3A = arith.index_cast %scan3A_74 : i32 to index
      %get3A_79 = arith.constant 64 : index
      %get3A_80 = tpu.vector_load %arg9[%get3A, %get3A_79] {strides = array<i32>} : memref<256x128xf32, #tpu.memory_space<vmem>>, vector<1x16xf32>,
      %get3A_81 = vector.shape_cast %get3A_80 : vector<1x16xf32> to vector<16xf32>
      %get3A_82 = arith.index_cast %scan3A_74 : i32 to index
      %get3A_83 = arith.constant 0 : index
      %get3A_84 = tpu.vector_load %arg8[%get3A_82, %get3A_83] {strides = array<i32>} : memref<256x128xf32, #tpu.memory_space<vmem>>, vector<1x16xf32>,
      %get3A_85 = vector.shape_cast %get3A_84 : vector<1x16xf32> to vector<16xf32>
      %sub3A = arith.subf %get3A_81, %get3A_85 : vector<16xf32>
      %mul3A_86 = arith.mulf %sub3A, %sub3A : vector<16xf32>
      %add3A_87 = arith.addf %scan3A_75, %mul3A_86 : vector<16xf32>
      %get3A_88 = arith.index_cast %scan3A_74 : i32 to index
      %get3A_89 = arith.constant 80 : index
      %get3A_90 = tpu.vector_load %arg9[%get3A_88, %get3A_89] {strides = array<i32>} : memref<256x128xf32, #tpu.memory_space<vmem>>, vector<1x16xf32>,
      %get3A_91 = vector.shape_cast %get3A_90 : vector<1x16xf32> to vector<16xf32>
      %get3A_92 = arith.index_cast %scan3A_74 : i32 to index
      %get3A_93 = arith.constant 16 : index
      %get3A_94 = tpu.vector_load %arg8[%get3A_92, %get3A_93] {strides = array<i32>} : memref<256x128xf32, #tpu.memory_space<vmem>>, vector<1x16xf32>,
      %get3A_95 = vector.shape_cast %get3A_94 : vector<1x16xf32> to vector<16xf32>
      %sub3A_96 = arith.subf %get3A_91, %get3A_95 : vector<16xf32>
      %mul3A_97 = arith.mulf %sub3A_96, %sub3A_96 : vector<16xf32>
      %add3A_98 = arith.addf %scan3A_76, %mul3A_97 : vector<16xf32>
      %get3A_99 = arith.index_cast %scan3A_74 : i32 to index
      %get3A_100 = arith.constant 96 : index
      %get3A_101 = tpu.vector_load %arg9[%get3A_99, %get3A_100] {strides = array<i32>} : memref<256x128xf32, #tpu.memory_space<vmem>>, vector<1x16xf32>,
      %get3A_102 = vector.shape_cast %get3A_101 : vector<1x16xf32> to vector<16xf32>
      %get3A_103 = arith.index_cast %scan3A_74 : i32 to index
      %get3A_104 = arith.constant 32 : index
      %get3A_105 = tpu.vector_load %arg8[%get3A_103, %get3A_104] {strides = array<i32>} : memref<256x128xf32, #tpu.memory_space<vmem>>, vector<1x16xf32>,
      %get3A_106 = vector.shape_cast %get3A_105 : vector<1x16xf32> to vector<16xf32>
      %sub3A_107 = arith.subf %get3A_102, %get3A_106 : vector<16xf32>
      %mul3A_108 = arith.mulf %sub3A_107, %sub3A_107 : vector<16xf32>
      %add3A_109 = arith.addf %scan3A_77, %mul3A_108 : vector<16xf32>
      %get3A_110 = arith.index_cast %scan3A_74 : i32 to index
      %get3A_111 = arith.constant 112 : index
      %get3A_112 = tpu.vector_load %arg9[%get3A_110, %get3A_111] {strides = array<i32>} : memref<256x128xf32, #tpu.memory_space<vmem>>, vector<1x16xf32>,
      %get3A_113 = vector.shape_cast %get3A_112 : vector<1x16xf32> to vector<16xf32>
      %get3A_114 = arith.index_cast %scan3A_74 : i32 to index
      %get3A_115 = arith.constant 48 : index
      %get3A_116 = tpu.vector_load %arg8[%get3A_114, %get3A_115] {strides = array<i32>} : memref<256x128xf32, #tpu.memory_space<vmem>>, vector<1x16xf32>,
      %get3A_117 = vector.shape_cast %get3A_116 : vector<1x16xf32> to vector<16xf32>
      %sub3A_118 = arith.subf %get3A_113, %get3A_117 : vector<16xf32>
      %mul3A_119 = arith.mulf %sub3A_118, %sub3A_118 : vector<16xf32>
      %add3A_120 = arith.addf %scan3A_78, %mul3A_119 : vector<16xf32>
      scf.yield %add3A_87, %add3A_98, %add3A_109, %add3A_120 : vector<16xf32>, vector<16xf32>, vector<16xf32>, vector<16xf32>
    }
    %scan3A_49 = arith.constant 256 : i32
    %add3A_50 = arith.addf %scan3A_48#0, %scan3A_48#1 : vector<16xf32>
    %add3A_51 = arith.addf %scan3A_48#2, %scan3A_48#3 : vector<16xf32>
    %add3A_52 = arith.addf %add3A_50, %add3A_51 : vector<16xf32>
    %dma_wait3A_53 = arith.constant 0 : i32
    %dma_wait3A_54 = arith.constant 0 : i32
    %dma_wait3A_55 = tpu.memref_slice %arg2[%dma_wait3A_53, %dma_wait3A_54] : memref<8192x128xf32, #tpu.memory_space<hbm>> -> memref<8192x128xf32, #tpu.memory_space<hbm>>
    tpu.wait_indirect_dma semaphore(%arg13 : memref<!tpu.dma_semaphore, #tpu.memory_space<semaphore_mem>>) src(%dma_wait3A_55 : memref<8192x128xf32, #tpu.memory_space<hbm>>) dst(%arg10 : memref<256x128xf32, #tpu.memory_space<vmem>>)
    %broadcast_in_dim3A_56 = arith.constant 0.000000e+00 : f32
    %broadcast_in_dim3A_57 = vector.broadcast %broadcast_in_dim3A_56 : f32 to vector<16xf32>
    %scan3A_58 = arith.constant 0 : i32
    %scan3A_59 = arith.constant 256 : i32
    %scan3A_60 = arith.addi %scan3A_58, %scan3A_59 : i32
    %scan3A_61 = arith.constant 1 : i32
    %scan3A_62:4 = scf.for %scan3A_74 = %scan3A_58 to %scan3A_60 step %scan3A_61 iter_args(%scan3A_75 = %broadcast_in_dim3A_57, %scan3A_76 = %broadcast_in_dim3A_57, %scan3A_77 = %broadcast_in_dim3A_57, %scan3A_78 = %broadcast_in_dim3A_57) -> (vector<16xf32>, vector<16xf32>, vector<16xf32>, vector<16xf32>)  : i32 {
      %get3A = arith.index_cast %scan3A_74 : i32 to index
      %get3A_79 = arith.constant 0 : index
      %get3A_80 = tpu.vector_load %arg10[%get3A, %get3A_79] {strides = array<i32>} : memref<256x128xf32, #tpu.memory_space<vmem>>, vector<1x16xf32>,
      %get3A_81 = vector.shape_cast %get3A_80 : vector<1x16xf32> to vector<16xf32>
      %get3A_82 = arith.index_cast %scan3A_74 : i32 to index
      %get3A_83 = arith.constant 64 : index
      %get3A_84 = tpu.vector_load %arg8[%get3A_82, %get3A_83] {strides = array<i32>} : memref<256x128xf32, #tpu.memory_space<vmem>>, vector<1x16xf32>,
      %get3A_85 = vector.shape_cast %get3A_84 : vector<1x16xf32> to vector<16xf32>
      %sub3A = arith.subf %get3A_81, %get3A_85 : vector<16xf32>
      %mul3A_86 = arith.mulf %sub3A, %sub3A : vector<16xf32>
      %add3A_87 = arith.addf %scan3A_75, %mul3A_86 : vector<16xf32>
      %get3A_88 = arith.index_cast %scan3A_74 : i32 to index
      %get3A_89 = arith.constant 16 : index
      %get3A_90 = tpu.vector_load %arg10[%get3A_88, %get3A_89] {strides = array<i32>} : memref<256x128xf32, #tpu.memory_space<vmem>>, vector<1x16xf32>,
      %get3A_91 = vector.shape_cast %get3A_90 : vector<1x16xf32> to vector<16xf32>
      %get3A_92 = arith.index_cast %scan3A_74 : i32 to index
      %get3A_93 = arith.constant 80 : index
      %get3A_94 = tpu.vector_load %arg8[%get3A_92, %get3A_93] {strides = array<i32>} : memref<256x128xf32, #tpu.memory_space<vmem>>, vector<1x16xf32>,
      %get3A_95 = vector.shape_cast %get3A_94 : vector<1x16xf32> to vector<16xf32>
      %sub3A_96 = arith.subf %get3A_91, %get3A_95 : vector<16xf32>
      %mul3A_97 = arith.mulf %sub3A_96, %sub3A_96 : vector<16xf32>
      %add3A_98 = arith.addf %scan3A_76, %mul3A_97 : vector<16xf32>
      %get3A_99 = arith.index_cast %scan3A_74 : i32 to index
      %get3A_100 = arith.constant 32 : index
      %get3A_101 = tpu.vector_load %arg10[%get3A_99, %get3A_100] {strides = array<i32>} : memref<256x128xf32, #tpu.memory_space<vmem>>, vector<1x16xf32>,
      %get3A_102 = vector.shape_cast %get3A_101 : vector<1x16xf32> to vector<16xf32>
      %get3A_103 = arith.index_cast %scan3A_74 : i32 to index
      %get3A_104 = arith.constant 96 : index
      %get3A_105 = tpu.vector_load %arg8[%get3A_103, %get3A_104] {strides = array<i32>} : memref<256x128xf32, #tpu.memory_space<vmem>>, vector<1x16xf32>,
      %get3A_106 = vector.shape_cast %get3A_105 : vector<1x16xf32> to vector<16xf32>
      %sub3A_107 = arith.subf %get3A_102, %get3A_106 : vector<16xf32>
      %mul3A_108 = arith.mulf %sub3A_107, %sub3A_107 : vector<16xf32>
      %add3A_109 = arith.addf %scan3A_77, %mul3A_108 : vector<16xf32>
      %get3A_110 = arith.index_cast %scan3A_74 : i32 to index
      %get3A_111 = arith.constant 48 : index
      %get3A_112 = tpu.vector_load %arg10[%get3A_110, %get3A_111] {strides = array<i32>} : memref<256x128xf32, #tpu.memory_space<vmem>>, vector<1x16xf32>,
      %get3A_113 = vector.shape_cast %get3A_112 : vector<1x16xf32> to vector<16xf32>
      %get3A_114 = arith.index_cast %scan3A_74 : i32 to index
      %get3A_115 = arith.constant 112 : index
      %get3A_116 = tpu.vector_load %arg8[%get3A_114, %get3A_115] {strides = array<i32>} : memref<256x128xf32, #tpu.memory_space<vmem>>, vector<1x16xf32>,
      %get3A_117 = vector.shape_cast %get3A_116 : vector<1x16xf32> to vector<16xf32>
      %sub3A_118 = arith.subf %get3A_113, %get3A_117 : vector<16xf32>
      %mul3A_119 = arith.mulf %sub3A_118, %sub3A_118 : vector<16xf32>
      %add3A_120 = arith.addf %scan3A_78, %mul3A_119 : vector<16xf32>
      scf.yield %add3A_87, %add3A_98, %add3A_109, %add3A_120 : vector<16xf32>, vector<16xf32>, vector<16xf32>, vector<16xf32>
    }
    %scan3A_63 = arith.constant 256 : i32
    %add3A_64 = arith.addf %scan3A_62#0, %scan3A_62#1 : vector<16xf32>
    %add3A_65 = arith.addf %scan3A_62#2, %scan3A_62#3 : vector<16xf32>
    %add3A_66 = arith.addf %add3A_64, %add3A_65 : vector<16xf32>
    %add3A_67 = arith.addf %add3A_52, %add3A_66 : vector<16xf32>
    %swap3A_68 = arith.constant 0 : i32
    %swap3A_69 = arith.index_cast %swap3A_68 : i32 to index
    %swap3A_70 = arith.constant 0 : index
    %swap3A_71 = tpu.vector_load %arg11[%swap3A_69, %swap3A_70] {strides = array<i32>} : memref<1x16xf32, #tpu.memory_space<vmem>>, vector<1x16xf32>,
    %swap3A_72 = vector.shape_cast %swap3A_71 : vector<1x16xf32> to vector<16xf32>
    %swap3A_73 = vector.shape_cast %add3A_67 : vector<16xf32> to vector<1x16xf32>
    tpu.vector_store %arg11[%swap3A_69, %swap3A_70], %swap3A_73 {strides = array<i32>} : memref<1x16xf32, #tpu.memory_space<vmem>>, vector<1x16xf32>,
    "tpu.region"() ({
      %run_scoped3A = tpu.sem_alloc : memref<!tpu.dma_semaphore, #tpu.memory_space<semaphore_mem>>
      %dma_start3A_74 = arith.constant 0 : i32
      %dma_start3A_75 = tpu.memref_slice %arg5[%add3A, %dma_start3A_74] : memref<32x16xf32, #tpu.memory_space<hbm>> -> memref<1x16xf32, #tpu.memory_space<hbm>>
      %dma_start3A_76 = arith.constant 0 : i32
      %dma_start3A_77 = tpu.memref_slice %arg5[%add3A, %dma_start3A_76] : memref<32x16xf32, #tpu.memory_space<hbm>> -> memref<1x16xf32, #tpu.memory_space<hbm>>
      tpu.enqueue_dma source(%arg11 : memref<1x16xf32, #tpu.memory_space<vmem>>) target(%dma_start3A_77 : memref<1x16xf32, #tpu.memory_space<hbm>>) target_semaphore(%run_scoped3A : memref<!tpu.dma_semaphore, #tpu.memory_space<semaphore_mem>>)
      %dma_wait3A_78 = arith.constant 0 : i32
      %dma_wait3A_79 = tpu.memref_slice %arg5[%add3A, %dma_wait3A_78] : memref<32x16xf32, #tpu.memory_space<hbm>> -> memref<1x16xf32, #tpu.memory_space<hbm>>
      %dma_wait3A_80 = arith.constant 0 : i32
      %dma_wait3A_81 = tpu.memref_slice %arg5[%add3A, %dma_wait3A_80] : memref<32x16xf32, #tpu.memory_space<hbm>> -> memref<1x16xf32, #tpu.memory_space<hbm>>
      tpu.wait_dma2 semaphore(%run_scoped3A : memref<!tpu.dma_semaphore, #tpu.memory_space<semaphore_mem>>) src(%arg11 : memref<1x16xf32, #tpu.memory_space<vmem>>) dst(%dma_wait3A_81 : memref<1x16xf32, #tpu.memory_space<hbm>>)
      tpu.yield
    }) : () -> ()
    return
  }
}

module attributes {stable_mosaic.version = 14 : i64} {
  func.func @_argmin_body(%arg0: i32, %arg1: memref<1024x16xbf16, #tpu.memory_space<vmem>>, %arg2: memref<16x8192xbf16, #tpu.memory_space<vmem>>, %arg3: memref<1x8192xi32, #tpu.memory_space<vmem>>, %arg4: memref<1024x64xf32, #tpu.memory_space<vmem>>, %arg5: memref<1024x64xf32, #tpu.memory_space<vmem>>, %arg6: memref<1x1024x1xi32, #tpu.memory_space<vmem>>, %arg7: memref<1x8192xi32, #tpu.memory_space<vmem>>, %arg8: memref<1024x128xf32, #tpu.memory_space<vmem>>, %arg9: memref<1x8192xf32, #tpu.memory_space<vmem>>) attributes {dimension_semantics = [#tpu.dimension_semantics<arbitrary>], iteration_bounds = array<i64: 8>, scalar_prefetch = 0 : i64, scratch_operands = 1 : i64, tpu.core_type = #tpu.core_type<tc>, window_params = [{transform_indices = @transform_0, window_bounds = array<i64: 1024, 16>}, {pipeline_mode = #tpu.pipeline_mode<synchronous>, transform_indices = @transform_1, window_bounds = array<i64: 16, 8192>}, {pipeline_mode = #tpu.pipeline_mode<synchronous>, transform_indices = @transform_2, window_bounds = array<i64: 1, 8192>}, {transform_indices = @transform_3, window_bounds = array<i64: 1024, 64>}, {transform_indices = @transform_4, window_bounds = array<i64: 1024, 64>}, {transform_indices = @transform_5, window_bounds = array<i64: 1, 1024, 1>}, {pipeline_mode = #tpu.pipeline_mode<synchronous>, transform_indices = @transform_6, window_bounds = array<i64: 1, 8192>}, {transform_indices = @transform_7, window_bounds = array<i64: 1024, 128>}]} {
    %get3A = arith.constant 0 : index
    %get3A_0 = arith.constant 0 : index
    %get3A_1 = vector.load %arg4[%get3A, %get3A_0] : memref<1024x64xf32, #tpu.memory_space<vmem>>, vector<1024x64xf32>
    %swap3A = arith.constant 0 : index
    %swap3A_2 = arith.constant 0 : index
    %swap3A_3 = vector.load %arg8[%swap3A, %swap3A_2] : memref<1024x128xf32, #tpu.memory_space<vmem>>, vector<1024x64xf32>
    tpu.vector_store %arg8[%swap3A, %swap3A_2], %get3A_1 {strides = array<i32>} : memref<1024x128xf32, #tpu.memory_space<vmem>>, vector<1024x64xf32>,
    %get3A_4 = arith.constant 0 : index
    %get3A_5 = arith.constant 0 : index
    %get3A_6 = vector.load %arg5[%get3A_4, %get3A_5] : memref<1024x64xf32, #tpu.memory_space<vmem>>, vector<1024x64xf32>
    %swap3A_7 = arith.constant 0 : index
    %swap3A_8 = arith.constant 64 : index
    %swap3A_9 = vector.load %arg8[%swap3A_7, %swap3A_8] : memref<1024x128xf32, #tpu.memory_space<vmem>>, vector<1024x64xf32>
    tpu.vector_store %arg8[%swap3A_7, %swap3A_8], %get3A_6 {strides = array<i32>} : memref<1024x128xf32, #tpu.memory_space<vmem>>, vector<1024x64xf32>,
    %eq3A = arith.constant 0 : i32
    %eq3A_10 = arith.cmpi eq, %arg0, %eq3A : i32
    %convert_element_type3A = arith.extui %eq3A_10 : i1 to i32
    %cond3A = arith.constant 0 : i32
    %cond3A_11 = arith.cmpi ne, %convert_element_type3A, %cond3A : i32
    scf.if %cond3A_11 {
      %broadcast_in_dim3A_369 = arith.constant 0x7F800000 : f32
      %broadcast_in_dim3A_370 = vector.broadcast %broadcast_in_dim3A_369 : f32 to vector<1x8192xf32>
      %swap3A_371 = arith.constant 0 : index
      %swap3A_372 = arith.constant 0 : index
      %swap3A_373 = vector.load %arg9[%swap3A_371, %swap3A_372] : memref<1x8192xf32, #tpu.memory_space<vmem>>, vector<1x8192xf32>
      tpu.vector_store %arg9[%swap3A_371, %swap3A_372], %broadcast_in_dim3A_370 {strides = array<i32>} : memref<1x8192xf32, #tpu.memory_space<vmem>>, vector<1x8192xf32>,
    } else {
    }
    %get3A_12 = arith.constant 0 : index
    %get3A_13 = arith.constant 0 : index
    %get3A_14 = vector.load %arg1[%get3A_12, %get3A_13] : memref<1024x16xbf16, #tpu.memory_space<vmem>>, vector<1024x16xbf16>
    %iota3A = tpu.iota {dimensions = array<i32: 0>} : vector<1024x1024xi32>
    %mul3A = arith.constant 1024 : i32
    %mul3A_15 = arith.muli %arg0, %mul3A : i32
    %or3A = vector.broadcast %mul3A_15 : i32 to vector<1024x1024xi32>
    %or3A_16 = arith.ori %iota3A, %or3A : vector<1024x1024xi32>
    %get3A_17 = arith.constant 0 : index
    %get3A_18 = arith.constant 0 : index
    %get3A_19 = vector.load %arg2[%get3A_17, %get3A_18] : memref<16x8192xbf16, #tpu.memory_space<vmem>>, vector<16x1024xbf16>
    %dot_general3A = arith.constant dense<0.000000e+00> : vector<1024x1024xf32>
    %dot_general3A_20 = tpu.matmul %get3A_14, %get3A_19, %dot_general3A {dimension_numbers = #tpu.dot_dimension_numbers<[1], [0], [0], [1], [0, 0, 1, 1], [], []>, transpose_lhs_hint = false} : vector<1024x16xbf16>, vector<16x1024xbf16>, vector<1024x1024xf32> -> vector<1024x1024xf32>
    %bitcast_convert_type3A = tpu.bitcast %dot_general3A_20 : vector<1024x1024xf32> -> vector<1024x1024xi32>
    %and3A = arith.constant -8192 : i32
    %and3A_21 = vector.broadcast %and3A : i32 to vector<1024x1024xi32>
    %and3A_22 = arith.andi %bitcast_convert_type3A, %and3A_21 : vector<1024x1024xi32>
    %get3A_23 = arith.constant 0 : index
    %get3A_24 = arith.constant 0 : index
    %get3A_25 = vector.load %arg3[%get3A_23, %get3A_24] : memref<1x8192xi32, #tpu.memory_space<vmem>>, vector<1x1024xi32>
    %or3A_26 = vector.broadcast %get3A_25 : vector<1x1024xi32> to vector<1024x1024xi32>
    %or3A_27 = arith.ori %and3A_22, %or3A_26 : vector<1024x1024xi32>
    %bitcast_convert_type3A_28 = tpu.bitcast %or3A_27 : vector<1024x1024xi32> -> vector<1024x1024xf32>
    %or3A_29 = arith.ori %and3A_22, %or3A_16 : vector<1024x1024xi32>
    %bitcast_convert_type3A_30 = tpu.bitcast %or3A_29 : vector<1024x1024xi32> -> vector<1024x1024xf32>
    %slice3A = vector.extract_strided_slice %bitcast_convert_type3A_28 {offsets = [0, 0], sizes = [1024, 128], strides = [1, 1]} : vector<1024x1024xf32> to vector<1024x128xf32>
    %slice3A_31 = vector.extract_strided_slice %bitcast_convert_type3A_28 {offsets = [0, 128], sizes = [1024, 128], strides = [1, 1]} : vector<1024x1024xf32> to vector<1024x128xf32>
    %min3A = arith.minimumf %slice3A, %slice3A_31 : vector<1024x128xf32>
    %slice3A_32 = vector.extract_strided_slice %bitcast_convert_type3A_28 {offsets = [0, 256], sizes = [1024, 128], strides = [1, 1]} : vector<1024x1024xf32> to vector<1024x128xf32>
    %min3A_33 = arith.minimumf %min3A, %slice3A_32 : vector<1024x128xf32>
    %slice3A_34 = vector.extract_strided_slice %bitcast_convert_type3A_28 {offsets = [0, 384], sizes = [1024, 128], strides = [1, 1]} : vector<1024x1024xf32> to vector<1024x128xf32>
    %min3A_35 = arith.minimumf %min3A_33, %slice3A_34 : vector<1024x128xf32>
    %slice3A_36 = vector.extract_strided_slice %bitcast_convert_type3A_28 {offsets = [0, 512], sizes = [1024, 128], strides = [1, 1]} : vector<1024x1024xf32> to vector<1024x128xf32>
    %min3A_37 = arith.minimumf %min3A_35, %slice3A_36 : vector<1024x128xf32>
    %slice3A_38 = vector.extract_strided_slice %bitcast_convert_type3A_28 {offsets = [0, 640], sizes = [1024, 128], strides = [1, 1]} : vector<1024x1024xf32> to vector<1024x128xf32>
    %min3A_39 = arith.minimumf %min3A_37, %slice3A_38 : vector<1024x128xf32>
    %slice3A_40 = vector.extract_strided_slice %bitcast_convert_type3A_28 {offsets = [0, 768], sizes = [1024, 128], strides = [1, 1]} : vector<1024x1024xf32> to vector<1024x128xf32>
    %min3A_41 = arith.minimumf %min3A_39, %slice3A_40 : vector<1024x128xf32>
    %slice3A_42 = vector.extract_strided_slice %bitcast_convert_type3A_28 {offsets = [0, 896], sizes = [1024, 128], strides = [1, 1]} : vector<1024x1024xf32> to vector<1024x128xf32>
    %min3A_43 = arith.minimumf %min3A_41, %slice3A_42 : vector<1024x128xf32>
    %reduce_min3A = arith.constant dense<0x7F800000> : vector<1024xf32>
    %reduce_min3A_44 = vector.multi_reduction <minimumf>, %bitcast_convert_type3A_30, %reduce_min3A [0] : vector<1024x1024xf32> to vector<1024xf32>
    %broadcast_in_dim3A = vector.shape_cast %reduce_min3A_44 : vector<1024xf32> to vector<1x1024xf32>
    %get3A_45 = arith.constant 0 : index
    %get3A_46 = arith.constant 0 : index
    %get3A_47 = vector.load %arg9[%get3A_45, %get3A_46] : memref<1x8192xf32, #tpu.memory_space<vmem>>, vector<1x1024xf32>
    %min3A_48 = arith.minimumf %broadcast_in_dim3A, %get3A_47 : vector<1x1024xf32>
    %swap3A_49 = arith.constant 0 : index
    %swap3A_50 = arith.constant 0 : index
    %swap3A_51 = vector.load %arg9[%swap3A_49, %swap3A_50] : memref<1x8192xf32, #tpu.memory_space<vmem>>, vector<1x1024xf32>
    tpu.vector_store %arg9[%swap3A_49, %swap3A_50], %min3A_48 {strides = array<i32>} : memref<1x8192xf32, #tpu.memory_space<vmem>>, vector<1x1024xf32>,
    %get3A_52 = arith.constant 0 : index
    %get3A_53 = arith.constant 1024 : index
    %get3A_54 = vector.load %arg2[%get3A_52, %get3A_53] : memref<16x8192xbf16, #tpu.memory_space<vmem>>, vector<16x1024xbf16>
    %dot_general3A_55 = arith.constant dense<0.000000e+00> : vector<1024x1024xf32>
    %dot_general3A_56 = tpu.matmul %get3A_14, %get3A_54, %dot_general3A_55 {dimension_numbers = #tpu.dot_dimension_numbers<[1], [0], [0], [1], [0, 0, 1, 1], [], []>, transpose_lhs_hint = false} : vector<1024x16xbf16>, vector<16x1024xbf16>, vector<1024x1024xf32> -> vector<1024x1024xf32>
    %bitcast_convert_type3A_57 = tpu.bitcast %dot_general3A_56 : vector<1024x1024xf32> -> vector<1024x1024xi32>
    %and3A_58 = arith.constant -8192 : i32
    %and3A_59 = vector.broadcast %and3A_58 : i32 to vector<1024x1024xi32>
    %and3A_60 = arith.andi %bitcast_convert_type3A_57, %and3A_59 : vector<1024x1024xi32>
    %get3A_61 = arith.constant 0 : index
    %get3A_62 = arith.constant 1024 : index
    %get3A_63 = vector.load %arg3[%get3A_61, %get3A_62] : memref<1x8192xi32, #tpu.memory_space<vmem>>, vector<1x1024xi32>
    %or3A_64 = vector.broadcast %get3A_63 : vector<1x1024xi32> to vector<1024x1024xi32>
    %or3A_65 = arith.ori %and3A_60, %or3A_64 : vector<1024x1024xi32>
    %bitcast_convert_type3A_66 = tpu.bitcast %or3A_65 : vector<1024x1024xi32> -> vector<1024x1024xf32>
    %or3A_67 = arith.ori %and3A_60, %or3A_16 : vector<1024x1024xi32>
    %bitcast_convert_type3A_68 = tpu.bitcast %or3A_67 : vector<1024x1024xi32> -> vector<1024x1024xf32>
    %slice3A_69 = vector.extract_strided_slice %bitcast_convert_type3A_66 {offsets = [0, 0], sizes = [1024, 128], strides = [1, 1]} : vector<1024x1024xf32> to vector<1024x128xf32>
    %slice3A_70 = vector.extract_strided_slice %bitcast_convert_type3A_66 {offsets = [0, 128], sizes = [1024, 128], strides = [1, 1]} : vector<1024x1024xf32> to vector<1024x128xf32>
    %min3A_71 = arith.minimumf %slice3A_69, %slice3A_70 : vector<1024x128xf32>
    %slice3A_72 = vector.extract_strided_slice %bitcast_convert_type3A_66 {offsets = [0, 256], sizes = [1024, 128], strides = [1, 1]} : vector<1024x1024xf32> to vector<1024x128xf32>
    %min3A_73 = arith.minimumf %min3A_71, %slice3A_72 : vector<1024x128xf32>
    %slice3A_74 = vector.extract_strided_slice %bitcast_convert_type3A_66 {offsets = [0, 384], sizes = [1024, 128], strides = [1, 1]} : vector<1024x1024xf32> to vector<1024x128xf32>
    %min3A_75 = arith.minimumf %min3A_73, %slice3A_74 : vector<1024x128xf32>
    %slice3A_76 = vector.extract_strided_slice %bitcast_convert_type3A_66 {offsets = [0, 512], sizes = [1024, 128], strides = [1, 1]} : vector<1024x1024xf32> to vector<1024x128xf32>
    %min3A_77 = arith.minimumf %min3A_75, %slice3A_76 : vector<1024x128xf32>
    %slice3A_78 = vector.extract_strided_slice %bitcast_convert_type3A_66 {offsets = [0, 640], sizes = [1024, 128], strides = [1, 1]} : vector<1024x1024xf32> to vector<1024x128xf32>
    %min3A_79 = arith.minimumf %min3A_77, %slice3A_78 : vector<1024x128xf32>
    %slice3A_80 = vector.extract_strided_slice %bitcast_convert_type3A_66 {offsets = [0, 768], sizes = [1024, 128], strides = [1, 1]} : vector<1024x1024xf32> to vector<1024x128xf32>
    %min3A_81 = arith.minimumf %min3A_79, %slice3A_80 : vector<1024x128xf32>
    %slice3A_82 = vector.extract_strided_slice %bitcast_convert_type3A_66 {offsets = [0, 896], sizes = [1024, 128], strides = [1, 1]} : vector<1024x1024xf32> to vector<1024x128xf32>
    %min3A_83 = arith.minimumf %min3A_81, %slice3A_82 : vector<1024x128xf32>
    %min3A_84 = arith.minimumf %min3A_43, %min3A_83 : vector<1024x128xf32>
    %reduce_min3A_85 = arith.constant dense<0x7F800000> : vector<1024xf32>
    %reduce_min3A_86 = vector.multi_reduction <minimumf>, %bitcast_convert_type3A_68, %reduce_min3A_85 [0] : vector<1024x1024xf32> to vector<1024xf32>
    %broadcast_in_dim3A_87 = vector.shape_cast %reduce_min3A_86 : vector<1024xf32> to vector<1x1024xf32>
    %get3A_88 = arith.constant 0 : index
    %get3A_89 = arith.constant 1024 : index
    %get3A_90 = vector.load %arg9[%get3A_88, %get3A_89] : memref<1x8192xf32, #tpu.memory_space<vmem>>, vector<1x1024xf32>
    %min3A_91 = arith.minimumf %broadcast_in_dim3A_87, %get3A_90 : vector<1x1024xf32>
    %swap3A_92 = arith.constant 0 : index
    %swap3A_93 = arith.constant 1024 : index
    %swap3A_94 = vector.load %arg9[%swap3A_92, %swap3A_93] : memref<1x8192xf32, #tpu.memory_space<vmem>>, vector<1x1024xf32>
    tpu.vector_store %arg9[%swap3A_92, %swap3A_93], %min3A_91 {strides = array<i32>} : memref<1x8192xf32, #tpu.memory_space<vmem>>, vector<1x1024xf32>,
    %get3A_95 = arith.constant 0 : index
    %get3A_96 = arith.constant 2048 : index
    %get3A_97 = vector.load %arg2[%get3A_95, %get3A_96] : memref<16x8192xbf16, #tpu.memory_space<vmem>>, vector<16x1024xbf16>
    %dot_general3A_98 = arith.constant dense<0.000000e+00> : vector<1024x1024xf32>
    %dot_general3A_99 = tpu.matmul %get3A_14, %get3A_97, %dot_general3A_98 {dimension_numbers = #tpu.dot_dimension_numbers<[1], [0], [0], [1], [0, 0, 1, 1], [], []>, transpose_lhs_hint = false} : vector<1024x16xbf16>, vector<16x1024xbf16>, vector<1024x1024xf32> -> vector<1024x1024xf32>
    %bitcast_convert_type3A_100 = tpu.bitcast %dot_general3A_99 : vector<1024x1024xf32> -> vector<1024x1024xi32>
    %and3A_101 = arith.constant -8192 : i32
    %and3A_102 = vector.broadcast %and3A_101 : i32 to vector<1024x1024xi32>
    %and3A_103 = arith.andi %bitcast_convert_type3A_100, %and3A_102 : vector<1024x1024xi32>
    %get3A_104 = arith.constant 0 : index
    %get3A_105 = arith.constant 2048 : index
    %get3A_106 = vector.load %arg3[%get3A_104, %get3A_105] : memref<1x8192xi32, #tpu.memory_space<vmem>>, vector<1x1024xi32>
    %or3A_107 = vector.broadcast %get3A_106 : vector<1x1024xi32> to vector<1024x1024xi32>
    %or3A_108 = arith.ori %and3A_103, %or3A_107 : vector<1024x1024xi32>
    %bitcast_convert_type3A_109 = tpu.bitcast %or3A_108 : vector<1024x1024xi32> -> vector<1024x1024xf32>
    %or3A_110 = arith.ori %and3A_103, %or3A_16 : vector<1024x1024xi32>
    %bitcast_convert_type3A_111 = tpu.bitcast %or3A_110 : vector<1024x1024xi32> -> vector<1024x1024xf32>
    %slice3A_112 = vector.extract_strided_slice %bitcast_convert_type3A_109 {offsets = [0, 0], sizes = [1024, 128], strides = [1, 1]} : vector<1024x1024xf32> to vector<1024x128xf32>
    %slice3A_113 = vector.extract_strided_slice %bitcast_convert_type3A_109 {offsets = [0, 128], sizes = [1024, 128], strides = [1, 1]} : vector<1024x1024xf32> to vector<1024x128xf32>
    %min3A_114 = arith.minimumf %slice3A_112, %slice3A_113 : vector<1024x128xf32>
    %slice3A_115 = vector.extract_strided_slice %bitcast_convert_type3A_109 {offsets = [0, 256], sizes = [1024, 128], strides = [1, 1]} : vector<1024x1024xf32> to vector<1024x128xf32>
    %min3A_116 = arith.minimumf %min3A_114, %slice3A_115 : vector<1024x128xf32>
    %slice3A_117 = vector.extract_strided_slice %bitcast_convert_type3A_109 {offsets = [0, 384], sizes = [1024, 128], strides = [1, 1]} : vector<1024x1024xf32> to vector<1024x128xf32>
    %min3A_118 = arith.minimumf %min3A_116, %slice3A_117 : vector<1024x128xf32>
    %slice3A_119 = vector.extract_strided_slice %bitcast_convert_type3A_109 {offsets = [0, 512], sizes = [1024, 128], strides = [1, 1]} : vector<1024x1024xf32> to vector<1024x128xf32>
    %min3A_120 = arith.minimumf %min3A_118, %slice3A_119 : vector<1024x128xf32>
    %slice3A_121 = vector.extract_strided_slice %bitcast_convert_type3A_109 {offsets = [0, 640], sizes = [1024, 128], strides = [1, 1]} : vector<1024x1024xf32> to vector<1024x128xf32>
    %min3A_122 = arith.minimumf %min3A_120, %slice3A_121 : vector<1024x128xf32>
    %slice3A_123 = vector.extract_strided_slice %bitcast_convert_type3A_109 {offsets = [0, 768], sizes = [1024, 128], strides = [1, 1]} : vector<1024x1024xf32> to vector<1024x128xf32>
    %min3A_124 = arith.minimumf %min3A_122, %slice3A_123 : vector<1024x128xf32>
    %slice3A_125 = vector.extract_strided_slice %bitcast_convert_type3A_109 {offsets = [0, 896], sizes = [1024, 128], strides = [1, 1]} : vector<1024x1024xf32> to vector<1024x128xf32>
    %min3A_126 = arith.minimumf %min3A_124, %slice3A_125 : vector<1024x128xf32>
    %min3A_127 = arith.minimumf %min3A_84, %min3A_126 : vector<1024x128xf32>
    %reduce_min3A_128 = arith.constant dense<0x7F800000> : vector<1024xf32>
    %reduce_min3A_129 = vector.multi_reduction <minimumf>, %bitcast_convert_type3A_111, %reduce_min3A_128 [0] : vector<1024x1024xf32> to vector<1024xf32>
    %broadcast_in_dim3A_130 = vector.shape_cast %reduce_min3A_129 : vector<1024xf32> to vector<1x1024xf32>
    %get3A_131 = arith.constant 0 : index
    %get3A_132 = arith.constant 2048 : index
    %get3A_133 = vector.load %arg9[%get3A_131, %get3A_132] : memref<1x8192xf32, #tpu.memory_space<vmem>>, vector<1x1024xf32>
    %min3A_134 = arith.minimumf %broadcast_in_dim3A_130, %get3A_133 : vector<1x1024xf32>
    %swap3A_135 = arith.constant 0 : index
    %swap3A_136 = arith.constant 2048 : index
    %swap3A_137 = vector.load %arg9[%swap3A_135, %swap3A_136] : memref<1x8192xf32, #tpu.memory_space<vmem>>, vector<1x1024xf32>
    tpu.vector_store %arg9[%swap3A_135, %swap3A_136], %min3A_134 {strides = array<i32>} : memref<1x8192xf32, #tpu.memory_space<vmem>>, vector<1x1024xf32>,
    %get3A_138 = arith.constant 0 : index
    %get3A_139 = arith.constant 3072 : index
    %get3A_140 = vector.load %arg2[%get3A_138, %get3A_139] : memref<16x8192xbf16, #tpu.memory_space<vmem>>, vector<16x1024xbf16>
    %dot_general3A_141 = arith.constant dense<0.000000e+00> : vector<1024x1024xf32>
    %dot_general3A_142 = tpu.matmul %get3A_14, %get3A_140, %dot_general3A_141 {dimension_numbers = #tpu.dot_dimension_numbers<[1], [0], [0], [1], [0, 0, 1, 1], [], []>, transpose_lhs_hint = false} : vector<1024x16xbf16>, vector<16x1024xbf16>, vector<1024x1024xf32> -> vector<1024x1024xf32>
    %bitcast_convert_type3A_143 = tpu.bitcast %dot_general3A_142 : vector<1024x1024xf32> -> vector<1024x1024xi32>
    %and3A_144 = arith.constant -8192 : i32
    %and3A_145 = vector.broadcast %and3A_144 : i32 to vector<1024x1024xi32>
    %and3A_146 = arith.andi %bitcast_convert_type3A_143, %and3A_145 : vector<1024x1024xi32>
    %get3A_147 = arith.constant 0 : index
    %get3A_148 = arith.constant 3072 : index
    %get3A_149 = vector.load %arg3[%get3A_147, %get3A_148] : memref<1x8192xi32, #tpu.memory_space<vmem>>, vector<1x1024xi32>
    %or3A_150 = vector.broadcast %get3A_149 : vector<1x1024xi32> to vector<1024x1024xi32>
    %or3A_151 = arith.ori %and3A_146, %or3A_150 : vector<1024x1024xi32>
    %bitcast_convert_type3A_152 = tpu.bitcast %or3A_151 : vector<1024x1024xi32> -> vector<1024x1024xf32>
    %or3A_153 = arith.ori %and3A_146, %or3A_16 : vector<1024x1024xi32>
    %bitcast_convert_type3A_154 = tpu.bitcast %or3A_153 : vector<1024x1024xi32> -> vector<1024x1024xf32>
    %slice3A_155 = vector.extract_strided_slice %bitcast_convert_type3A_152 {offsets = [0, 0], sizes = [1024, 128], strides = [1, 1]} : vector<1024x1024xf32> to vector<1024x128xf32>
    %slice3A_156 = vector.extract_strided_slice %bitcast_convert_type3A_152 {offsets = [0, 128], sizes = [1024, 128], strides = [1, 1]} : vector<1024x1024xf32> to vector<1024x128xf32>
    %min3A_157 = arith.minimumf %slice3A_155, %slice3A_156 : vector<1024x128xf32>
    %slice3A_158 = vector.extract_strided_slice %bitcast_convert_type3A_152 {offsets = [0, 256], sizes = [1024, 128], strides = [1, 1]} : vector<1024x1024xf32> to vector<1024x128xf32>
    %min3A_159 = arith.minimumf %min3A_157, %slice3A_158 : vector<1024x128xf32>
    %slice3A_160 = vector.extract_strided_slice %bitcast_convert_type3A_152 {offsets = [0, 384], sizes = [1024, 128], strides = [1, 1]} : vector<1024x1024xf32> to vector<1024x128xf32>
    %min3A_161 = arith.minimumf %min3A_159, %slice3A_160 : vector<1024x128xf32>
    %slice3A_162 = vector.extract_strided_slice %bitcast_convert_type3A_152 {offsets = [0, 512], sizes = [1024, 128], strides = [1, 1]} : vector<1024x1024xf32> to vector<1024x128xf32>
    %min3A_163 = arith.minimumf %min3A_161, %slice3A_162 : vector<1024x128xf32>
    %slice3A_164 = vector.extract_strided_slice %bitcast_convert_type3A_152 {offsets = [0, 640], sizes = [1024, 128], strides = [1, 1]} : vector<1024x1024xf32> to vector<1024x128xf32>
    %min3A_165 = arith.minimumf %min3A_163, %slice3A_164 : vector<1024x128xf32>
    %slice3A_166 = vector.extract_strided_slice %bitcast_convert_type3A_152 {offsets = [0, 768], sizes = [1024, 128], strides = [1, 1]} : vector<1024x1024xf32> to vector<1024x128xf32>
    %min3A_167 = arith.minimumf %min3A_165, %slice3A_166 : vector<1024x128xf32>
    %slice3A_168 = vector.extract_strided_slice %bitcast_convert_type3A_152 {offsets = [0, 896], sizes = [1024, 128], strides = [1, 1]} : vector<1024x1024xf32> to vector<1024x128xf32>
    %min3A_169 = arith.minimumf %min3A_167, %slice3A_168 : vector<1024x128xf32>
    %min3A_170 = arith.minimumf %min3A_127, %min3A_169 : vector<1024x128xf32>
    %reduce_min3A_171 = arith.constant dense<0x7F800000> : vector<1024xf32>
    %reduce_min3A_172 = vector.multi_reduction <minimumf>, %bitcast_convert_type3A_154, %reduce_min3A_171 [0] : vector<1024x1024xf32> to vector<1024xf32>
    %broadcast_in_dim3A_173 = vector.shape_cast %reduce_min3A_172 : vector<1024xf32> to vector<1x1024xf32>
    %get3A_174 = arith.constant 0 : index
    %get3A_175 = arith.constant 3072 : index
    %get3A_176 = vector.load %arg9[%get3A_174, %get3A_175] : memref<1x8192xf32, #tpu.memory_space<vmem>>, vector<1x1024xf32>
    %min3A_177 = arith.minimumf %broadcast_in_dim3A_173, %get3A_176 : vector<1x1024xf32>
    %swap3A_178 = arith.constant 0 : index
    %swap3A_179 = arith.constant 3072 : index
    %swap3A_180 = vector.load %arg9[%swap3A_178, %swap3A_179] : memref<1x8192xf32, #tpu.memory_space<vmem>>, vector<1x1024xf32>
    tpu.vector_store %arg9[%swap3A_178, %swap3A_179], %min3A_177 {strides = array<i32>} : memref<1x8192xf32, #tpu.memory_space<vmem>>, vector<1x1024xf32>,
    %get3A_181 = arith.constant 0 : index
    %get3A_182 = arith.constant 4096 : index
    %get3A_183 = vector.load %arg2[%get3A_181, %get3A_182] : memref<16x8192xbf16, #tpu.memory_space<vmem>>, vector<16x1024xbf16>
    %dot_general3A_184 = arith.constant dense<0.000000e+00> : vector<1024x1024xf32>
    %dot_general3A_185 = tpu.matmul %get3A_14, %get3A_183, %dot_general3A_184 {dimension_numbers = #tpu.dot_dimension_numbers<[1], [0], [0], [1], [0, 0, 1, 1], [], []>, transpose_lhs_hint = false} : vector<1024x16xbf16>, vector<16x1024xbf16>, vector<1024x1024xf32> -> vector<1024x1024xf32>
    %bitcast_convert_type3A_186 = tpu.bitcast %dot_general3A_185 : vector<1024x1024xf32> -> vector<1024x1024xi32>
    %and3A_187 = arith.constant -8192 : i32
    %and3A_188 = vector.broadcast %and3A_187 : i32 to vector<1024x1024xi32>
    %and3A_189 = arith.andi %bitcast_convert_type3A_186, %and3A_188 : vector<1024x1024xi32>
    %get3A_190 = arith.constant 0 : index
    %get3A_191 = arith.constant 4096 : index
    %get3A_192 = vector.load %arg3[%get3A_190, %get3A_191] : memref<1x8192xi32, #tpu.memory_space<vmem>>, vector<1x1024xi32>
    %or3A_193 = vector.broadcast %get3A_192 : vector<1x1024xi32> to vector<1024x1024xi32>
    %or3A_194 = arith.ori %and3A_189, %or3A_193 : vector<1024x1024xi32>
    %bitcast_convert_type3A_195 = tpu.bitcast %or3A_194 : vector<1024x1024xi32> -> vector<1024x1024xf32>
    %or3A_196 = arith.ori %and3A_189, %or3A_16 : vector<1024x1024xi32>
    %bitcast_convert_type3A_197 = tpu.bitcast %or3A_196 : vector<1024x1024xi32> -> vector<1024x1024xf32>
    %slice3A_198 = vector.extract_strided_slice %bitcast_convert_type3A_195 {offsets = [0, 0], sizes = [1024, 128], strides = [1, 1]} : vector<1024x1024xf32> to vector<1024x128xf32>
    %slice3A_199 = vector.extract_strided_slice %bitcast_convert_type3A_195 {offsets = [0, 128], sizes = [1024, 128], strides = [1, 1]} : vector<1024x1024xf32> to vector<1024x128xf32>
    %min3A_200 = arith.minimumf %slice3A_198, %slice3A_199 : vector<1024x128xf32>
    %slice3A_201 = vector.extract_strided_slice %bitcast_convert_type3A_195 {offsets = [0, 256], sizes = [1024, 128], strides = [1, 1]} : vector<1024x1024xf32> to vector<1024x128xf32>
    %min3A_202 = arith.minimumf %min3A_200, %slice3A_201 : vector<1024x128xf32>
    %slice3A_203 = vector.extract_strided_slice %bitcast_convert_type3A_195 {offsets = [0, 384], sizes = [1024, 128], strides = [1, 1]} : vector<1024x1024xf32> to vector<1024x128xf32>
    %min3A_204 = arith.minimumf %min3A_202, %slice3A_203 : vector<1024x128xf32>
    %slice3A_205 = vector.extract_strided_slice %bitcast_convert_type3A_195 {offsets = [0, 512], sizes = [1024, 128], strides = [1, 1]} : vector<1024x1024xf32> to vector<1024x128xf32>
    %min3A_206 = arith.minimumf %min3A_204, %slice3A_205 : vector<1024x128xf32>
    %slice3A_207 = vector.extract_strided_slice %bitcast_convert_type3A_195 {offsets = [0, 640], sizes = [1024, 128], strides = [1, 1]} : vector<1024x1024xf32> to vector<1024x128xf32>
    %min3A_208 = arith.minimumf %min3A_206, %slice3A_207 : vector<1024x128xf32>
    %slice3A_209 = vector.extract_strided_slice %bitcast_convert_type3A_195 {offsets = [0, 768], sizes = [1024, 128], strides = [1, 1]} : vector<1024x1024xf32> to vector<1024x128xf32>
    %min3A_210 = arith.minimumf %min3A_208, %slice3A_209 : vector<1024x128xf32>
    %slice3A_211 = vector.extract_strided_slice %bitcast_convert_type3A_195 {offsets = [0, 896], sizes = [1024, 128], strides = [1, 1]} : vector<1024x1024xf32> to vector<1024x128xf32>
    %min3A_212 = arith.minimumf %min3A_210, %slice3A_211 : vector<1024x128xf32>
    %min3A_213 = arith.minimumf %min3A_170, %min3A_212 : vector<1024x128xf32>
    %reduce_min3A_214 = arith.constant dense<0x7F800000> : vector<1024xf32>
    %reduce_min3A_215 = vector.multi_reduction <minimumf>, %bitcast_convert_type3A_197, %reduce_min3A_214 [0] : vector<1024x1024xf32> to vector<1024xf32>
    %broadcast_in_dim3A_216 = vector.shape_cast %reduce_min3A_215 : vector<1024xf32> to vector<1x1024xf32>
    %get3A_217 = arith.constant 0 : index
    %get3A_218 = arith.constant 4096 : index
    %get3A_219 = vector.load %arg9[%get3A_217, %get3A_218] : memref<1x8192xf32, #tpu.memory_space<vmem>>, vector<1x1024xf32>
    %min3A_220 = arith.minimumf %broadcast_in_dim3A_216, %get3A_219 : vector<1x1024xf32>
    %swap3A_221 = arith.constant 0 : index
    %swap3A_222 = arith.constant 4096 : index
    %swap3A_223 = vector.load %arg9[%swap3A_221, %swap3A_222] : memref<1x8192xf32, #tpu.memory_space<vmem>>, vector<1x1024xf32>
    tpu.vector_store %arg9[%swap3A_221, %swap3A_222], %min3A_220 {strides = array<i32>} : memref<1x8192xf32, #tpu.memory_space<vmem>>, vector<1x1024xf32>,
    %get3A_224 = arith.constant 0 : index
    %get3A_225 = arith.constant 5120 : index
    %get3A_226 = vector.load %arg2[%get3A_224, %get3A_225] : memref<16x8192xbf16, #tpu.memory_space<vmem>>, vector<16x1024xbf16>
    %dot_general3A_227 = arith.constant dense<0.000000e+00> : vector<1024x1024xf32>
    %dot_general3A_228 = tpu.matmul %get3A_14, %get3A_226, %dot_general3A_227 {dimension_numbers = #tpu.dot_dimension_numbers<[1], [0], [0], [1], [0, 0, 1, 1], [], []>, transpose_lhs_hint = false} : vector<1024x16xbf16>, vector<16x1024xbf16>, vector<1024x1024xf32> -> vector<1024x1024xf32>
    %bitcast_convert_type3A_229 = tpu.bitcast %dot_general3A_228 : vector<1024x1024xf32> -> vector<1024x1024xi32>
    %and3A_230 = arith.constant -8192 : i32
    %and3A_231 = vector.broadcast %and3A_230 : i32 to vector<1024x1024xi32>
    %and3A_232 = arith.andi %bitcast_convert_type3A_229, %and3A_231 : vector<1024x1024xi32>
    %get3A_233 = arith.constant 0 : index
    %get3A_234 = arith.constant 5120 : index
    %get3A_235 = vector.load %arg3[%get3A_233, %get3A_234] : memref<1x8192xi32, #tpu.memory_space<vmem>>, vector<1x1024xi32>
    %or3A_236 = vector.broadcast %get3A_235 : vector<1x1024xi32> to vector<1024x1024xi32>
    %or3A_237 = arith.ori %and3A_232, %or3A_236 : vector<1024x1024xi32>
    %bitcast_convert_type3A_238 = tpu.bitcast %or3A_237 : vector<1024x1024xi32> -> vector<1024x1024xf32>
    %or3A_239 = arith.ori %and3A_232, %or3A_16 : vector<1024x1024xi32>
    %bitcast_convert_type3A_240 = tpu.bitcast %or3A_239 : vector<1024x1024xi32> -> vector<1024x1024xf32>
    %slice3A_241 = vector.extract_strided_slice %bitcast_convert_type3A_238 {offsets = [0, 0], sizes = [1024, 128], strides = [1, 1]} : vector<1024x1024xf32> to vector<1024x128xf32>
    %slice3A_242 = vector.extract_strided_slice %bitcast_convert_type3A_238 {offsets = [0, 128], sizes = [1024, 128], strides = [1, 1]} : vector<1024x1024xf32> to vector<1024x128xf32>
    %min3A_243 = arith.minimumf %slice3A_241, %slice3A_242 : vector<1024x128xf32>
    %slice3A_244 = vector.extract_strided_slice %bitcast_convert_type3A_238 {offsets = [0, 256], sizes = [1024, 128], strides = [1, 1]} : vector<1024x1024xf32> to vector<1024x128xf32>
    %min3A_245 = arith.minimumf %min3A_243, %slice3A_244 : vector<1024x128xf32>
    %slice3A_246 = vector.extract_strided_slice %bitcast_convert_type3A_238 {offsets = [0, 384], sizes = [1024, 128], strides = [1, 1]} : vector<1024x1024xf32> to vector<1024x128xf32>
    %min3A_247 = arith.minimumf %min3A_245, %slice3A_246 : vector<1024x128xf32>
    %slice3A_248 = vector.extract_strided_slice %bitcast_convert_type3A_238 {offsets = [0, 512], sizes = [1024, 128], strides = [1, 1]} : vector<1024x1024xf32> to vector<1024x128xf32>
    %min3A_249 = arith.minimumf %min3A_247, %slice3A_248 : vector<1024x128xf32>
    %slice3A_250 = vector.extract_strided_slice %bitcast_convert_type3A_238 {offsets = [0, 640], sizes = [1024, 128], strides = [1, 1]} : vector<1024x1024xf32> to vector<1024x128xf32>
    %min3A_251 = arith.minimumf %min3A_249, %slice3A_250 : vector<1024x128xf32>
    %slice3A_252 = vector.extract_strided_slice %bitcast_convert_type3A_238 {offsets = [0, 768], sizes = [1024, 128], strides = [1, 1]} : vector<1024x1024xf32> to vector<1024x128xf32>
    %min3A_253 = arith.minimumf %min3A_251, %slice3A_252 : vector<1024x128xf32>
    %slice3A_254 = vector.extract_strided_slice %bitcast_convert_type3A_238 {offsets = [0, 896], sizes = [1024, 128], strides = [1, 1]} : vector<1024x1024xf32> to vector<1024x128xf32>
    %min3A_255 = arith.minimumf %min3A_253, %slice3A_254 : vector<1024x128xf32>
    %min3A_256 = arith.minimumf %min3A_213, %min3A_255 : vector<1024x128xf32>
    %reduce_min3A_257 = arith.constant dense<0x7F800000> : vector<1024xf32>
    %reduce_min3A_258 = vector.multi_reduction <minimumf>, %bitcast_convert_type3A_240, %reduce_min3A_257 [0] : vector<1024x1024xf32> to vector<1024xf32>
    %broadcast_in_dim3A_259 = vector.shape_cast %reduce_min3A_258 : vector<1024xf32> to vector<1x1024xf32>
    %get3A_260 = arith.constant 0 : index
    %get3A_261 = arith.constant 5120 : index
    %get3A_262 = vector.load %arg9[%get3A_260, %get3A_261] : memref<1x8192xf32, #tpu.memory_space<vmem>>, vector<1x1024xf32>
    %min3A_263 = arith.minimumf %broadcast_in_dim3A_259, %get3A_262 : vector<1x1024xf32>
    %swap3A_264 = arith.constant 0 : index
    %swap3A_265 = arith.constant 5120 : index
    %swap3A_266 = vector.load %arg9[%swap3A_264, %swap3A_265] : memref<1x8192xf32, #tpu.memory_space<vmem>>, vector<1x1024xf32>
    tpu.vector_store %arg9[%swap3A_264, %swap3A_265], %min3A_263 {strides = array<i32>} : memref<1x8192xf32, #tpu.memory_space<vmem>>, vector<1x1024xf32>,
    %get3A_267 = arith.constant 0 : index
    %get3A_268 = arith.constant 6144 : index
    %get3A_269 = vector.load %arg2[%get3A_267, %get3A_268] : memref<16x8192xbf16, #tpu.memory_space<vmem>>, vector<16x1024xbf16>
    %dot_general3A_270 = arith.constant dense<0.000000e+00> : vector<1024x1024xf32>
    %dot_general3A_271 = tpu.matmul %get3A_14, %get3A_269, %dot_general3A_270 {dimension_numbers = #tpu.dot_dimension_numbers<[1], [0], [0], [1], [0, 0, 1, 1], [], []>, transpose_lhs_hint = false} : vector<1024x16xbf16>, vector<16x1024xbf16>, vector<1024x1024xf32> -> vector<1024x1024xf32>
    %bitcast_convert_type3A_272 = tpu.bitcast %dot_general3A_271 : vector<1024x1024xf32> -> vector<1024x1024xi32>
    %and3A_273 = arith.constant -8192 : i32
    %and3A_274 = vector.broadcast %and3A_273 : i32 to vector<1024x1024xi32>
    %and3A_275 = arith.andi %bitcast_convert_type3A_272, %and3A_274 : vector<1024x1024xi32>
    %get3A_276 = arith.constant 0 : index
    %get3A_277 = arith.constant 6144 : index
    %get3A_278 = vector.load %arg3[%get3A_276, %get3A_277] : memref<1x8192xi32, #tpu.memory_space<vmem>>, vector<1x1024xi32>
    %or3A_279 = vector.broadcast %get3A_278 : vector<1x1024xi32> to vector<1024x1024xi32>
    %or3A_280 = arith.ori %and3A_275, %or3A_279 : vector<1024x1024xi32>
    %bitcast_convert_type3A_281 = tpu.bitcast %or3A_280 : vector<1024x1024xi32> -> vector<1024x1024xf32>
    %or3A_282 = arith.ori %and3A_275, %or3A_16 : vector<1024x1024xi32>
    %bitcast_convert_type3A_283 = tpu.bitcast %or3A_282 : vector<1024x1024xi32> -> vector<1024x1024xf32>
    %slice3A_284 = vector.extract_strided_slice %bitcast_convert_type3A_281 {offsets = [0, 0], sizes = [1024, 128], strides = [1, 1]} : vector<1024x1024xf32> to vector<1024x128xf32>
    %slice3A_285 = vector.extract_strided_slice %bitcast_convert_type3A_281 {offsets = [0, 128], sizes = [1024, 128], strides = [1, 1]} : vector<1024x1024xf32> to vector<1024x128xf32>
    %min3A_286 = arith.minimumf %slice3A_284, %slice3A_285 : vector<1024x128xf32>
    %slice3A_287 = vector.extract_strided_slice %bitcast_convert_type3A_281 {offsets = [0, 256], sizes = [1024, 128], strides = [1, 1]} : vector<1024x1024xf32> to vector<1024x128xf32>
    %min3A_288 = arith.minimumf %min3A_286, %slice3A_287 : vector<1024x128xf32>
    %slice3A_289 = vector.extract_strided_slice %bitcast_convert_type3A_281 {offsets = [0, 384], sizes = [1024, 128], strides = [1, 1]} : vector<1024x1024xf32> to vector<1024x128xf32>
    %min3A_290 = arith.minimumf %min3A_288, %slice3A_289 : vector<1024x128xf32>
    %slice3A_291 = vector.extract_strided_slice %bitcast_convert_type3A_281 {offsets = [0, 512], sizes = [1024, 128], strides = [1, 1]} : vector<1024x1024xf32> to vector<1024x128xf32>
    %min3A_292 = arith.minimumf %min3A_290, %slice3A_291 : vector<1024x128xf32>
    %slice3A_293 = vector.extract_strided_slice %bitcast_convert_type3A_281 {offsets = [0, 640], sizes = [1024, 128], strides = [1, 1]} : vector<1024x1024xf32> to vector<1024x128xf32>
    %min3A_294 = arith.minimumf %min3A_292, %slice3A_293 : vector<1024x128xf32>
    %slice3A_295 = vector.extract_strided_slice %bitcast_convert_type3A_281 {offsets = [0, 768], sizes = [1024, 128], strides = [1, 1]} : vector<1024x1024xf32> to vector<1024x128xf32>
    %min3A_296 = arith.minimumf %min3A_294, %slice3A_295 : vector<1024x128xf32>
    %slice3A_297 = vector.extract_strided_slice %bitcast_convert_type3A_281 {offsets = [0, 896], sizes = [1024, 128], strides = [1, 1]} : vector<1024x1024xf32> to vector<1024x128xf32>
    %min3A_298 = arith.minimumf %min3A_296, %slice3A_297 : vector<1024x128xf32>
    %min3A_299 = arith.minimumf %min3A_256, %min3A_298 : vector<1024x128xf32>
    %reduce_min3A_300 = arith.constant dense<0x7F800000> : vector<1024xf32>
    %reduce_min3A_301 = vector.multi_reduction <minimumf>, %bitcast_convert_type3A_283, %reduce_min3A_300 [0] : vector<1024x1024xf32> to vector<1024xf32>
    %broadcast_in_dim3A_302 = vector.shape_cast %reduce_min3A_301 : vector<1024xf32> to vector<1x1024xf32>
    %get3A_303 = arith.constant 0 : index
    %get3A_304 = arith.constant 6144 : index
    %get3A_305 = vector.load %arg9[%get3A_303, %get3A_304] : memref<1x8192xf32, #tpu.memory_space<vmem>>, vector<1x1024xf32>
    %min3A_306 = arith.minimumf %broadcast_in_dim3A_302, %get3A_305 : vector<1x1024xf32>
    %swap3A_307 = arith.constant 0 : index
    %swap3A_308 = arith.constant 6144 : index
    %swap3A_309 = vector.load %arg9[%swap3A_307, %swap3A_308] : memref<1x8192xf32, #tpu.memory_space<vmem>>, vector<1x1024xf32>
    tpu.vector_store %arg9[%swap3A_307, %swap3A_308], %min3A_306 {strides = array<i32>} : memref<1x8192xf32, #tpu.memory_space<vmem>>, vector<1x1024xf32>,
    %get3A_310 = arith.constant 0 : index
    %get3A_311 = arith.constant 7168 : index
    %get3A_312 = vector.load %arg2[%get3A_310, %get3A_311] : memref<16x8192xbf16, #tpu.memory_space<vmem>>, vector<16x1024xbf16>
    %dot_general3A_313 = arith.constant dense<0.000000e+00> : vector<1024x1024xf32>
    %dot_general3A_314 = tpu.matmul %get3A_14, %get3A_312, %dot_general3A_313 {dimension_numbers = #tpu.dot_dimension_numbers<[1], [0], [0], [1], [0, 0, 1, 1], [], []>, transpose_lhs_hint = false} : vector<1024x16xbf16>, vector<16x1024xbf16>, vector<1024x1024xf32> -> vector<1024x1024xf32>
    %bitcast_convert_type3A_315 = tpu.bitcast %dot_general3A_314 : vector<1024x1024xf32> -> vector<1024x1024xi32>
    %and3A_316 = arith.constant -8192 : i32
    %and3A_317 = vector.broadcast %and3A_316 : i32 to vector<1024x1024xi32>
    %and3A_318 = arith.andi %bitcast_convert_type3A_315, %and3A_317 : vector<1024x1024xi32>
    %get3A_319 = arith.constant 0 : index
    %get3A_320 = arith.constant 7168 : index
    %get3A_321 = vector.load %arg3[%get3A_319, %get3A_320] : memref<1x8192xi32, #tpu.memory_space<vmem>>, vector<1x1024xi32>
    %or3A_322 = vector.broadcast %get3A_321 : vector<1x1024xi32> to vector<1024x1024xi32>
    %or3A_323 = arith.ori %and3A_318, %or3A_322 : vector<1024x1024xi32>
    %bitcast_convert_type3A_324 = tpu.bitcast %or3A_323 : vector<1024x1024xi32> -> vector<1024x1024xf32>
    %or3A_325 = arith.ori %and3A_318, %or3A_16 : vector<1024x1024xi32>
    %bitcast_convert_type3A_326 = tpu.bitcast %or3A_325 : vector<1024x1024xi32> -> vector<1024x1024xf32>
    %slice3A_327 = vector.extract_strided_slice %bitcast_convert_type3A_324 {offsets = [0, 0], sizes = [1024, 128], strides = [1, 1]} : vector<1024x1024xf32> to vector<1024x128xf32>
    %slice3A_328 = vector.extract_strided_slice %bitcast_convert_type3A_324 {offsets = [0, 128], sizes = [1024, 128], strides = [1, 1]} : vector<1024x1024xf32> to vector<1024x128xf32>
    %min3A_329 = arith.minimumf %slice3A_327, %slice3A_328 : vector<1024x128xf32>
    %slice3A_330 = vector.extract_strided_slice %bitcast_convert_type3A_324 {offsets = [0, 256], sizes = [1024, 128], strides = [1, 1]} : vector<1024x1024xf32> to vector<1024x128xf32>
    %min3A_331 = arith.minimumf %min3A_329, %slice3A_330 : vector<1024x128xf32>
    %slice3A_332 = vector.extract_strided_slice %bitcast_convert_type3A_324 {offsets = [0, 384], sizes = [1024, 128], strides = [1, 1]} : vector<1024x1024xf32> to vector<1024x128xf32>
    %min3A_333 = arith.minimumf %min3A_331, %slice3A_332 : vector<1024x128xf32>
    %slice3A_334 = vector.extract_strided_slice %bitcast_convert_type3A_324 {offsets = [0, 512], sizes = [1024, 128], strides = [1, 1]} : vector<1024x1024xf32> to vector<1024x128xf32>
    %min3A_335 = arith.minimumf %min3A_333, %slice3A_334 : vector<1024x128xf32>
    %slice3A_336 = vector.extract_strided_slice %bitcast_convert_type3A_324 {offsets = [0, 640], sizes = [1024, 128], strides = [1, 1]} : vector<1024x1024xf32> to vector<1024x128xf32>
    %min3A_337 = arith.minimumf %min3A_335, %slice3A_336 : vector<1024x128xf32>
    %slice3A_338 = vector.extract_strided_slice %bitcast_convert_type3A_324 {offsets = [0, 768], sizes = [1024, 128], strides = [1, 1]} : vector<1024x1024xf32> to vector<1024x128xf32>
    %min3A_339 = arith.minimumf %min3A_337, %slice3A_338 : vector<1024x128xf32>
    %slice3A_340 = vector.extract_strided_slice %bitcast_convert_type3A_324 {offsets = [0, 896], sizes = [1024, 128], strides = [1, 1]} : vector<1024x1024xf32> to vector<1024x128xf32>
    %min3A_341 = arith.minimumf %min3A_339, %slice3A_340 : vector<1024x128xf32>
    %min3A_342 = arith.minimumf %min3A_299, %min3A_341 : vector<1024x128xf32>
    %reduce_min3A_343 = arith.constant dense<0x7F800000> : vector<1024xf32>
    %reduce_min3A_344 = vector.multi_reduction <minimumf>, %bitcast_convert_type3A_326, %reduce_min3A_343 [0] : vector<1024x1024xf32> to vector<1024xf32>
    %broadcast_in_dim3A_345 = vector.shape_cast %reduce_min3A_344 : vector<1024xf32> to vector<1x1024xf32>
    %get3A_346 = arith.constant 0 : index
    %get3A_347 = arith.constant 7168 : index
    %get3A_348 = vector.load %arg9[%get3A_346, %get3A_347] : memref<1x8192xf32, #tpu.memory_space<vmem>>, vector<1x1024xf32>
    %min3A_349 = arith.minimumf %broadcast_in_dim3A_345, %get3A_348 : vector<1x1024xf32>
    %swap3A_350 = arith.constant 0 : index
    %swap3A_351 = arith.constant 7168 : index
    %swap3A_352 = vector.load %arg9[%swap3A_350, %swap3A_351] : memref<1x8192xf32, #tpu.memory_space<vmem>>, vector<1x1024xf32>
    tpu.vector_store %arg9[%swap3A_350, %swap3A_351], %min3A_349 {strides = array<i32>} : memref<1x8192xf32, #tpu.memory_space<vmem>>, vector<1x1024xf32>,
    %reduce_min3A_353 = arith.constant dense<0x7F800000> : vector<1024xf32>
    %reduce_min3A_354 = vector.multi_reduction <minimumf>, %min3A_342, %reduce_min3A_353 [1] : vector<1024x128xf32> to vector<1024xf32>
    %broadcast_in_dim3A_355 = vector.shape_cast %reduce_min3A_354 : vector<1024xf32> to vector<1024x1xf32>
    %bitcast_convert_type3A_356 = tpu.bitcast %broadcast_in_dim3A_355 : vector<1024x1xf32> -> vector<1024x1xi32>
    %and3A_357 = arith.constant 8191 : i32
    %and3A_358 = vector.broadcast %and3A_357 : i32 to vector<1024x1xi32>
    %and3A_359 = arith.andi %bitcast_convert_type3A_356, %and3A_358 : vector<1024x1xi32>
    %reshape3A = vector.shape_cast %and3A_359 : vector<1024x1xi32> to vector<1x1024x1xi32>
    %swap3A_360 = arith.constant 0 : index
    %swap3A_361 = arith.constant 0 : index
    %swap3A_362 = arith.constant 0 : index
    %swap3A_363 = vector.load %arg6[%swap3A_360, %swap3A_361, %swap3A_362] : memref<1x1024x1xi32, #tpu.memory_space<vmem>>, vector<1x1024x1xi32>
    tpu.vector_store %arg6[%swap3A_360, %swap3A_361, %swap3A_362], %reshape3A {strides = array<i32>} : memref<1x1024x1xi32, #tpu.memory_space<vmem>>, vector<1x1024x1xi32>,
    %eq3A_364 = arith.constant 7 : i32
    %eq3A_365 = arith.cmpi eq, %arg0, %eq3A_364 : i32
    %convert_element_type3A_366 = arith.extui %eq3A_365 : i1 to i32
    %cond3A_367 = arith.constant 0 : i32
    %cond3A_368 = arith.cmpi ne, %convert_element_type3A_366, %cond3A_367 : i32
    scf.if %cond3A_368 {
      %get3A_369 = arith.constant 0 : index
      %get3A_370 = arith.constant 0 : index
      %get3A_371 = vector.load %arg9[%get3A_369, %get3A_370] : memref<1x8192xf32, #tpu.memory_space<vmem>>, vector<1x8192xf32>
      %bitcast_convert_type3A_372 = tpu.bitcast %get3A_371 : vector<1x8192xf32> -> vector<1x8192xi32>
      %and3A_373 = arith.constant 8191 : i32
      %and3A_374 = vector.broadcast %and3A_373 : i32 to vector<1x8192xi32>
      %and3A_375 = arith.andi %bitcast_convert_type3A_372, %and3A_374 : vector<1x8192xi32>
      %swap3A_376 = arith.constant 0 : index
      %swap3A_377 = arith.constant 0 : index
      %swap3A_378 = vector.load %arg7[%swap3A_376, %swap3A_377] : memref<1x8192xi32, #tpu.memory_space<vmem>>, vector<1x8192xi32>
      tpu.vector_store %arg7[%swap3A_376, %swap3A_377], %and3A_375 {strides = array<i32>} : memref<1x8192xi32, #tpu.memory_space<vmem>>, vector<1x8192xi32>,
    } else {
    }
    return
  }
  func.func @transform_0(%arg0: i32) -> (i32, i32) {
    %c0_i32 = arith.constant 0 : i32
    %c0_i32_0 = arith.constant 0 : i32
    return %arg0, %c0_i32 : i32, i32
  }
  func.func @transform_1(%arg0: i32) -> (i32, i32) {
    %c0_i32 = arith.constant 0 : i32
    %c0_i32_0 = arith.constant 0 : i32
    %c0_i32_1 = arith.constant 0 : i32
    return %c0_i32, %c0_i32_0 : i32, i32
  }
  func.func @transform_2(%arg0: i32) -> (i32, i32) {
    %c0_i32 = arith.constant 0 : i32
    %c0_i32_0 = arith.constant 0 : i32
    %c0_i32_1 = arith.constant 0 : i32
    return %c0_i32, %c0_i32_0 : i32, i32
  }
  func.func @transform_3(%arg0: i32) -> (i32, i32) {
    %c0_i32 = arith.constant 0 : i32
    %c0_i32_0 = arith.constant 0 : i32
    return %arg0, %c0_i32 : i32, i32
  }
  func.func @transform_4(%arg0: i32) -> (i32, i32) {
    %c0_i32 = arith.constant 0 : i32
    %c0_i32_0 = arith.constant 0 : i32
    return %arg0, %c0_i32 : i32, i32
  }
  func.func @transform_5(%arg0: i32) -> (i32, i32, i32) {
    %c0_i32 = arith.constant 0 : i32
    %c0_i32_0 = arith.constant 0 : i32
    %c0_i32_1 = arith.constant 0 : i32
    return %arg0, %c0_i32, %c0_i32_0 : i32, i32, i32
  }
  func.func @transform_6(%arg0: i32) -> (i32, i32) {
    %c0_i32 = arith.constant 0 : i32
    %c0_i32_0 = arith.constant 0 : i32
    %c0_i32_1 = arith.constant 0 : i32
    return %c0_i32, %c0_i32_0 : i32, i32
  }
  func.func @transform_7(%arg0: i32) -> (i32, i32) {
    %c0_i32 = arith.constant 0 : i32
    %c0_i32_0 = arith.constant 0 : i32
    return %arg0, %c0_i32 : i32, i32
  }
}

</mosaic_0001>

<sc_bundles>
// kernel: kernel.4.cloned.1.call-start
scs
__scs_entry_jumppad:
0x0: {  	(pc) =	sbr.rel $0x88, $3  }
0x1: {  	(tag) =	ssettag $0x0;
	lr =	simm.s32 $0x1  }
0x2: {  	[smem:$0x3F9D] =	sst lr;
	_ =	strace $0xD0000000  }
0x3: {  	_ = 	snop  }
0x4: {  	_ = 	snop  }
0x5: {  	_ = 	snop  }
0x6: {  	_ = 	snop  }
0x7: {  	_ = 	snop  }
__scs_overlays_trampoline_lowered:
0x8: {  	[smem:$0x3FAC] =	sst s0  }
0x9: {  	[smem:$0x3FAD] =	sst s1  }
0xa: {  	[smem:$0x3FAE] =	sst s2  }
0xb: {  	[smem:$0x3FAF] =	sst s3  }
0xc: {  	[smem:$0x3FB0] =	sst s4  }
0xd: {  	[smem:$0x3FB1] =	sst s5  }
0xe: {  	[smem:$0x3FB2] =	sst s6  }
0xf: {  	[smem:$0x3FB3] =	sst s7  }
0x10: {  	[smem:$0x3FB4] =	sst s8  }
0x11: {  	[smem:$0x3FB5] =	sst s9;
	s0 =	simm.s32 @!p0 $0x0  }
0x12: {  	s1 =	sld [smem:$0x3F9B];
	s0 =	simm.s32 @p0 $0x1  }
0x13: {  	[smem:$0x3FB6] =	sst s0;
	s0 =	simm.s32 @!p1 $0x0  }
0x14: {  	s2 =	sld [smem:$0x3F9A];
	s0 =	simm.s32 @p1 $0x1  }
0x15: {  	[smem:$0x3FB7] =	sst s0;
	s0 =	simm.s32 @!p2 $0x0  }
0x16: {  	s3 =	sld [smem:$0x3FDB];
	s0 =	simm.s32 @p2 $0x1  }
0x17: {  	s4 =	simm.s32 $0x1BF5;
	[smem:$0x3FB9] =	sst s0  }
0x18: {  	s0 =	sld [smem:$0x3F9C];
	_ =	swait.ge [sflag:s4], $0x0  }
0x19: {  	s7 =	sld [smem:$0x3F9D]  }
0x1a: {  	s8 =	sadd.s32 $0xFFFFE003, lr  }
0x1b: {  	s9 =	sadd.s32 $0xFFFFFEF7, lr;
	s5 =	simm.s32 $0xFFFFFFFF;
	p2 =	slt.u32 s8, $0xFFFFF086  }
0x1c: {  	p1 =	slt.u32 s9, $0xF7A;
	s5 =	simm.s32 @!p2 $0x0  }
0x1d: {  	s5 =	simm.s32 @p1 $0x1;
	p0 =	seq.s32 s7, s2  }
0x1e: {  	s7 =	smul.u32 @!p0 $0xF7A, s2;
	p2 =	seq.s32 @!p0 s5, $0x0  }
0x1f: {  	s9 =	smul.u32 $0xF7A, s1;
	s8 =	simm.s32 @!p0 $0x1BF5;
	p2 =	por !p2, p0  }
0x20: {  	[sflag:s8] =	ssyncset.s32 @!p0 $0xFFFFF086;
	s6 =	sadd.s32 @!p0 s3, s7;
	s7 =	simm.s32 @!p0 $0x108  }
0x21: {  	s3 =	sadd.s32 s3, s9;
	s6 =	sadd.s32 @!p0 $0x88, s6;
	s7 =	simm.s32 @p2 $0x1082  }
0x22: {  	[simem:s7], [sflag:s8] =	dma.local @!p0 [hbm:s6], $0xF7A  }
0x23: {  	s9 =	sor.u32 $0xD0000000, s2;
	s6 =	simm.s32 $0x108;
	_ =	swait.ge @!p0 [sflag:s8], $0x0  }
0x24: {  	s3 =	sadd.s32 $0x88, s3;
	s6 =	simm.s32 @!p1 $0x1082;
	[sflag:s4] =	ssyncset.s32 $0xFFFFF086  }
0x25: {  	[simem:s6], [sflag:s4] =	dma.local [hbm:s3], $0xF7A  }
0x26: {  	[smem:$0x3F9D] =	sst s1;
	(tag) =	ssettag s2;
	_ =	strace s9  }
0x27: {  	s1 =	sld [smem:$0x3FAD]  }
0x28: {  	s2 =	sld [smem:$0x3FAE]  }
0x29: {  	s4 =	sld [smem:$0x3FB0]  }
0x2a: {  	p0 =	seq.s32 s5, $0x0;
	s5 =	sld [smem:$0x3FB1]  }
0x2b: {  	s6 =	sld [smem:$0x3FB2]  }
0x2c: {  	s7 =	sld [smem:$0x3FB3]  }
0x2d: {  	s3 =	simm.s32 $0x108;
	s8 =	sld [smem:$0x3FB4]  }
0x2e: {  	s3 =	simm.s32 @!p0 $0x1082;
	s9 =	sld [smem:$0x3FB5]  }
0x2f: {  	lr =	sadd.s32 s0, s3;
	s0 =	sld [smem:$0x3FAC]  }
0x30: {  	s3 =	sld [smem:$0x3FAF]  }
0x31: {  	[smem:$0x3FB8] =	sst s10  }
0x32: {  	s10 =	sld [smem:$0x3FB6];
	_ =	sdelay $0x3  }
0x33: {  	p0 =	seq.s32 s10, $0x1;
	s10 =	sld [smem:$0x3FB8];
	_ =	sdelay $0x3  }
0x34: {  	[smem:$0x3FB8] =	sst s10  }
0x35: {  	s10 =	sld [smem:$0x3FB7];
	_ =	sdelay $0x3  }
0x36: {  	p1 =	seq.s32 s10, $0x1;
	s10 =	sld [smem:$0x3FB8];
	_ =	sdelay $0x3  }
0x37: {  	[smem:$0x3FB8] =	sst s10  }
0x38: {  	s10 =	sld [smem:$0x3FB9]  }
0x39: {  	_ = 	snop;
	(pc) =	sbr.ind lr, $3  }
0x3a: {  	_ = 	snop  }
0x3b: {  	_ = 	snop  }
0x3c: {  	p2 =	seq.s32 s10, $0x1;
	s10 =	sld [smem:$0x3FB8]  }
0x3d: {  	_ =	shalt  }
0x3e: {  	_ =	shalt  }
0x3f: {  	_ =	shalt  }
0x40: {  	_ =	shalt  }
0x41: {  	_ =	shalt  }
0x42: {  	_ =	shalt  }
0x43: {  	_ =	shalt  }
0x44: {  	_ =	shalt  }
0x45: {  	_ =	shalt  }
0x46: {  	_ =	shalt  }
0x47: {  	_ =	shalt  }
0x48: {  	_ =	shalt  }
0x49: {  	_ =	shalt  }
0x4a: {  	_ =	shalt  }
0x4b: {  	_ =	shalt  }
0x4c: {  	_ =	shalt  }
0x4d: {  	_ =	shalt  }
0x4e: {  	_ =	shalt  }
0x4f: {  	_ =	shalt  }
0x50: {  	_ =	shalt  }
0x51: {  	_ =	shalt  }
0x52: {  	_ =	shalt  }
0x53: {  	_ =	shalt  }
0x54: {  	_ =	shalt  }
0x55: {  	_ =	shalt  }
0x56: {  	_ =	shalt  }
0x57: {  	_ =	shalt  }
0x58: {  	_ =	shalt  }
0x59: {  	_ =	shalt  }
0x5a: {  	_ =	shalt  }
0x5b: {  	_ =	shalt  }
0x5c: {  	_ =	shalt  }
0x5d: {  	_ =	shalt  }
0x5e: {  	_ =	shalt  }
0x5f: {  	_ =	shalt  }
0x60: {  	_ =	shalt  }
0x61: {  	_ =	shalt  }
0x62: {  	_ =	shalt  }
0x63: {  	_ =	shalt  }
0x64: {  	_ =	shalt  }
0x65: {  	_ =	shalt  }
0x66: {  	_ =	shalt  }
0x67: {  	_ =	shalt  }
0x68: {  	_ =	shalt  }
0x69: {  	_ =	shalt  }
0x6a: {  	_ =	shalt  }
0x6b: {  	_ =	shalt  }
0x6c: {  	_ =	shalt  }
0x6d: {  	_ =	shalt  }
0x6e: {  	_ =	shalt  }
0x6f: {  	_ =	shalt  }
0x70: {  	_ =	shalt  }
0x71: {  	_ =	shalt  }
0x72: {  	_ =	shalt  }
0x73: {  	_ =	shalt  }
0x74: {  	_ =	shalt  }
0x75: {  	_ =	shalt  }
0x76: {  	_ =	shalt  }
0x77: {  	_ =	shalt  }
0x78: {  	_ =	shalt  }
0x79: {  	_ =	shalt  }
0x7a: {  	_ =	shalt  }
0x7b: {  	_ =	shalt  }
0x7c: {  	_ =	shalt  }
0x7d: {  	_ =	shalt  }
0x7e: {  	_ =	shalt  }
0x7f: {  	_ =	shalt  }
0x80: {  	_ =	shalt  }
0x81: {  	_ =	shalt  }
0x82: {  	_ =	shalt  }
0x83: {  	_ =	shalt  }
0x84: {  	_ =	shalt  }
0x85: {  	_ =	shalt  }
0x86: {  	_ =	shalt  }
0x87: {  	_ =	shalt  }
.Lfunc_end0:
.L_simem_size_0:
called_computation_lowered:
.L_overlay_start_0:
0x88: {  	s2 =	sld [smem:$0x3FD9]  }
0x89: {  	s3 =	sld [smem:$0x3FFE];
	_ =	sdelay $0x1  }
0x8a: {  	s1 =	srdreg.scid  }
0x8b: {  	s0 =	sand.u32 $0x1, s1  }
0x8c: {  	s16 =	sshll.u32 s0, $0xA;
	s2 =	sadd.s32 s3, s2  }
0x8d: {  	s2 =	sadd.s32 s2, s16  }
0x8e: {  	[smem:$0x3FC4] =	sst s2  }
0x8f: {  	_ = 	snop  }
0x90: {  	(tm) =	ssettm $0x1  }
0x91: {  	s17 =	sld [smem:$0x3FFB];
	_ =	sdelay $0x3  }
0x92: {  	_ =	strace s17  }
0x93: {  	s2 =	sld [smem:$0x3FFC];
	_ =	sdelay $0x3  }
0x94: {  	_ =	strace s2  }
0x95: {  	s2 =	sld [smem:$0x3FFD];
	_ =	sdelay $0x3  }
0x96: {  	_ =	strace s2  }
0x97: {  	_ =	strace $0x8FFFFFFF  }
0x98: {  	s18 =	sld [smem:$0x3FDB];
	_ =	sdelay $0x1  }
0x99: {  	s19 =	simm.s32 $_scs_section_size  }
0x9a: {  	s4 =	simm.s32 $_size__tile_overlayer_lowered;
	s5 =	simm.s32 $_tile_overlayer_lowered  }
0x9b: {  	s22 =	simm.s32 $0x1BFF;
	s21 =	sshll.u32 s5, $0x1;
	s2 =	sadd.s32 s19, s18  }
0x9c: {  	s6 =	simm.s32 $0x0;
	s20 =	sshll.u32 s4, $0x1;
	s4 =	sadd.s32 s21, s2  }
0x9d: {  	[timem:s6], [sflag:s22] =	dma.local [hbm:s4], s20  }
0x9e: {  	_ =	swait.ge [sflag:s22], s20  }
0x9f: {  	s3 =	ssub.s32 $0x0, s20;
	[sflag:s22] =	ssyncset.done $0x0  }
0xa0: {  	[sflag:s22] =	ssyncadd.s32 s3;
	_ =	sdelay $0x1  }
0xa1: {  	s23 =	simm.s32 $0x1B8B  }
0xa2: {  	_ =	swait.ge [sflag:s23], $0x1  }
0xa3: {  	[sflag:s23] =	ssyncset.done $0x0  }
0xa4: {  	s25 =	simm.s32 $0x1B8E;
	s24 =	sld [smem:$0x3FFE];
	[sflag:s23] =	ssyncadd.s32 $0xFFFFFFFF  }
0xa5: {  	s26 =	simm.s32 $execute0_lowered;
	[smem:$0x3FD2] =	sst s25  }
0xa6: {  	s4 =	sshll.u32 s26, $0x1;
	_ =	strace $0x80000046;
	[dreg:$0x1] =	wrdreg $0xFFFFFFFF  }
0xa7: {  	s28 =	simm.s32 $_size_execute0_lowered;
	s2 =	sadd.s32 s2, s4;
	[dreg:$0x0] =	wrdreg $0x0  }
0xa8: {  	s4 =	sshll.u32 s28, $0x1;
	[dreg:$0x2] =	wrdreg s2  }
0xa9: {  	[dreg:$0x3] =	wrdreg s4  }
0xaa: {  	[dreg:$0x4] =	wrdreg $0xC0  }
0xab: {  	_ =	task [dreg:s6], $0x5FFFF  }
0xac: {  	[dreg:$0x1] =	wrdreg $0xFFFFFFFF  }
0xad: {  	[dreg:$0x0] =	wrdreg $0x60  }
0xae: {  	[dreg:$0x2] =	wrdreg s24  }
0xaf: {  	[dreg:$0x3] =	wrdreg $0x9  }
0xb0: {  	_ =	task.clear_ibuf [dreg:s6], $0x4FFFF;
	_ =	strace $0x90000046  }
0xb1: {  	s29 =	simm.s32 $0x9;
	_ =	strace $0x80000048  }
0xb2: {  	_ =	swait.ge [sflag:s29], $0x1  }
0xb3: {  	[sflag:s29] =	ssyncadd.s32 $0xFFFFFFFF  }
0xb4: {  	_ =	strace $0x90000048  }
0xb5: {  	_ =	sfence  }
0xb6: {  	s30 =	sld [smem:$0x0];
	_ =	sdelay $0x2  }
0xb7: {  	s31 =	sshll.u32 s1, $0xD;
	s1 =	sshrl.u32 s1, $0x2  }
0xb8: {  	s3 =	sand.u32 $0x4000, s31;
	s1 =	sadd.s32 s1, s30  }
0xb9: {  	s0 =	sor.u32 s3, s0;
	s1 =	sshll.u32 s1, $0x11  }
0xba: {  	s0 =	sor.u32 s1, s0  }
0xbb: {  	s0 =	sadd.s32 $0x8F2B, s0  }
0xbc: {  	[sflag:s0] =	ssyncadd.remote.s32 $0x1  }
0xbd: {  	_ =	sfence.sel $0xFFFF  }
0xbe: {  	[dreg:$0x0] =	wrdreg $0xFFFFFFFF;
	(pc) =	sbr.abs _section_cstart, $3  }
0xbf: {  	[dreg:$0x1] =	wrdreg $0xFFFFFFFF  }
0xc0: {  	_ =	task.clear_ibuf [dreg:s6], $0x2FFFF;
	_ =	strace $0x9FFFFFFF  }
0xc1: {  	(tm) =	ssettm $0x7FFFFFFF  }
tec
execute0_lowered:
.L_overlay_start_1:
0x0: {  	(tag) =	ssettag $0x1  }
0x1: {  	s1 =	rddreg [dreg:$0x0];
	s2 =	srdreg.scid  }
0x2: {  	s0 =	rddreg [dreg:$0x1];
	s3 =	simm.s32 $0x0;
	s11 =	simm.s32 $0x1  }
0x3: {  	s12 =	simm.s32 $0x8200;
	s13 =	simm.s32 $0x2;
	s14 =	simm.s32 $0x10200  }
0x4: {  	s15 =	simm.s32 $0x3;
	s16 =	simm.s32 $0x4;
	s17 =	simm.s32 $0x18200  }
0x5: {  	s18 =	simm.s32 $0x5;
	s19 =	simm.s32 $0x0;
	s4 =	sand.u32 $0x1, s2  }
0x6: {  	s2 =	stileid.u32;
	[smem:$0x7FF] =	sst s3;
	s5 =	sshll.u32 s4, $0x4  }
0x7: {  	_ =	strace $0x80000047;
	s7 =	sshll.u32 s2, $0x4;
	s4 =	ssub.s32 $0x2, s4  }
0x8: {  	s5 =	sor.u32 s2, s5;
	s7 =	sand.u32 $0x70, s7;
	s8 =	sshrl.u32 s4, $0x1  }
0x9: {  	s6 =	sshll.u32 s5, $0x5;
	s9 =	sshll.u32 s5, $0x4;
	s7 =	sadd.s32 s7, s1  }
0xa: {  	s8 =	ssub.s32 s4, s8;
	s10 =	sshll.u32 s5, $0xC;
	s6 =	sadd.s32 s6, s1  }
0xb: {  	s9 =	sand.u32 $0x180, s9;
	s8 =	smax.u32 s8, $0x1;
	s4 =	sadd.s32 $0x20400, s6  }
0xc: {  	s7 =	sadd.s32 s9, s7;
	s5 =	sadd.s32 $0x20000, s6;
	s6 =	sadd.s32 s1, s10  }
0xd: {  	s9 =	simm.s32 $0x100;
	s10 =	simm.s32 $0x200;
	s7 =	sadd.s32 $0x20800, s7  }
.LBB2_1:
0xe: {  	[tilespmem:s3], [sflag:$0x1] =	stream.linear.gather [hbm4b:s4+s3], $0x100, $0x38;
	[tilespmem:$0x18280] =	vst v63  }
0xf: {  	_ = 	snop  }
0x10: {  	[tilespmem:s9], [sflag:$0x2] =	stream.linear.gather [hbm4b:s5+s3], $0x100, $0x38;
	[tilespmem:$0x18280] =	vst v63  }
0x11: {  	_ = 	snop  }
0x12: {  	v0 =	vimm.f32 $0.0e+00;
	[tilespmem:s10], [sflag:$0x3] =	stream.linear.gather [hbm4b:s6+s3], $0x8000, $0x38;
	[tilespmem:$0x18280] =	vst v63  }
0x13: {  	[tilespmem:$0x18200] =	vst v0  }
0x14: {  	_ =	swait.ge [sflag:s11], $0x100  }
0x15: {  	[sflag:s11] =	ssyncset.done $0x0  }
0x16: {  	[sflag:s11] =	ssyncadd.s32 $0xFFFFFF00  }
0x17: {  	[tilespmem:s12], [sflag:$0x4] =	stream.indirect.gather [hbm4b:s1+s9], $0x80, s3, s9, $0xb8;
	[tilespmem:$0x18280] =	vst v63  }
0x18: {  	_ =	swait.ge [sflag:s13], $0x100  }
0x19: {  	[sflag:s13] =	ssyncset.done $0x0  }
0x1a: {  	[sflag:s13] =	ssyncadd.s32 $0xFFFFFF00  }
0x1b: {  	[tilespmem:s14], [sflag:$0x2] =	stream.indirect.gather [hbm4b:s1+s9], $0x80, s9, s9, $0xb8;
	[tilespmem:$0x18280] =	vst v63  }
0x1c: {  	_ =	swait.ge [sflag:s15], $0x8000  }
0x1d: {  	[sflag:s15] =	ssyncset.done $0x0  }
0x1e: {  	[sflag:s15] =	ssyncadd.s32 $0xFFFF8000  }
0x1f: {  	_ =	swait.ge [sflag:s16], $0x8000  }
0x20: {  	[sflag:s16] =	ssyncset.done $0x0  }
0x21: {  	s21 =	simm.s32 $0x0;
	[sflag:s16] =	ssyncadd.s32 $0xFFFF8000  }
0x22: {  	v1 =	vld [tilespmem:s21+$0x8270]  }
0x23: {  	v2 =	vld [tilespmem:s21+$0x230]  }
0x24: {  	v4 =	vld [tilespmem:s21+$0x8240]  }
0x25: {  	v6 =	vld [tilespmem:s21+$0x200];
	_ =	sdelay $0x1  }
0x26: {  	v5 =	vld [tilespmem:s21+$0x8250]  }
0x27: {  	v8 =	vld [tilespmem:s21+$0x210]  }
0x28: {  	v3 =	vld [tilespmem:s21+$0x8260];
	v1 =	vsub.f32 v1, v2  }
0x29: {  	s20 =	simm.s32 $0x80;
	v7 =	vld [tilespmem:s21+$0x220];
	v10 =	vsub.f32 v4, v6;
	v4 =	vimm.f32 $0.0e+00  }
0x2a: {  	s21 =	simm.s32 $0x400;
	v6 =	vld [tilespmem:s20+$0x8270];
	v2 =	vimm.f32 $0.0e+00;
	v9 =	vmul.f32 v1, v1;
	v1 =	vimm.f32 $0.0e+00  }
.LBB2_2:
0x2b: {  	p0 =	sne.s32 s21, $0x1FE00;
	v11 =	vld [tilespmem:s20+$0x230]  }
0x2c: {  	v12 =	vld [tilespmem:s20+$0x8240];
	v10 =	vmul.f32 v10, v10;
	v8 =	vsub.f32 v5, v8;
	v0 =	vadd.f32 v9, v0  }
0x2d: {  	v9 =	vld [tilespmem:s20+$0x200]  }
.Ltmp0:
0x2e: {  	v5 =	vld [tilespmem:s20+$0x8250];
	v4 =	vadd.f32 v10, v4;
	v10 =	vmul.f32 v8, v8;
	v7 =	vsub.f32 v3, v7;
	(pc) =	sbr.rel @p0 .LBB2_2-.Ltmp0, $4  }
0x2f: {  	v8 =	vld [tilespmem:s20+$0x210]  }
0x30: {  	v3 =	vld [tilespmem:s20+$0x8260];
	v11 =	vsub.f32 v6, v11;
	v1 =	vadd.f32 v10, v1;
	v13 =	vmul.f32 v7, v7  }
0x31: {  	v7 =	vld [tilespmem:s20+$0x220];
	s20 =	sshra.s32 s21, $0x2  }
0x32: {  	s21 =	sadd.s32 $0x200, s21;
	v6 =	vld [tilespmem:s20+$0x8270];
	v10 =	vsub.f32 v12, v9;
	v9 =	vmul.f32 v11, v11;
	v2 =	vadd.f32 v13, v2  }
0x33: {  	v11 =	vld [tilespmem:s20+$0x230]  }
0x34: {  	v12 =	vld [tilespmem:s20+$0x8240]  }
0x35: {  	v13 =	vld [tilespmem:s20+$0x200]  }
0x36: {  	v14 =	vld [tilespmem:s20+$0x8250]  }
0x37: {  	v15 =	vld [tilespmem:s20+$0x210]  }
0x38: {  	v16 =	vld [tilespmem:s20+$0x8260]  }
0x39: {  	v17 =	vld [tilespmem:s20+$0x220];
	_ =	swait.ge [sflag:s13], $0x8000  }
0x3a: {  	[sflag:s13] =	ssyncset.done $0x0  }
0x3b: {  	s21 =	simm.s32 $0x0;
	v5 =	vsub.f32 v5, v8;
	v8 =	vmul.f32 v10, v10;
	[sflag:s13] =	ssyncadd.s32 $0xFFFF8000  }
0x3c: {  	v3 =	vsub.f32 v3, v7;
	v7 =	vld [tilespmem:s21+$0x10230]  }
0x3d: {  	v0 =	vadd.f32 v9, v0;
	v4 =	vadd.f32 v8, v4;
	v8 =	vld [tilespmem:s21+$0x270]  }
0x3e: {  	v5 =	vmul.f32 v5, v5;
	v10 =	vld [tilespmem:s21+$0x10200];
	v6 =	vsub.f32 v6, v11;
	v9 =	vsub.f32 v12, v13  }
0x3f: {  	v3 =	vmul.f32 v3, v3;
	v11 =	vsub.f32 v14, v15;
	v12 =	vsub.f32 v16, v17;
	v13 =	vld [tilespmem:s21+$0x240]  }
0x40: {  	v14 =	vadd.f32 v5, v1;
	v6 =	vmul.f32 v6, v6;
	v1 =	vmul.f32 v9, v9  }
0x41: {  	v5 =	vld [tilespmem:s21+$0x10210];
	v3 =	vadd.f32 v3, v2;
	v2 =	vmul.f32 v11, v11  }
0x42: {  	v9 =	vld [tilespmem:s21+$0x250];
	v0 =	vadd.f32 v6, v0;
	v6 =	vmul.f32 v12, v12;
	v1 =	vadd.f32 v1, v4  }
0x43: {  	v11 =	vld [tilespmem:s21+$0x260];
	v4 =	vsub.f32 v7, v8;
	v2 =	vadd.f32 v2, v14;
	v7 =	vimm.f32 $0.0e+00  }
0x44: {  	s20 =	simm.s32 $0x80;
	v8 =	vld [tilespmem:s21+$0x10220];
	v14 =	vsub.f32 v10, v13;
	v10 =	vimm.f32 $0.0e+00;
	v3 =	vadd.f32 v6, v3  }
0x45: {  	v12 =	vld [tilespmem:s20+$0x10230];
	s21 =	simm.s32 $0x400;
	v13 =	vmul.f32 v4, v4;
	v6 =	vimm.f32 $0.0e+00;
	v4 =	vimm.f32 $0.0e+00  }
.LBB2_4:
0x46: {  	p0 =	sne.s32 s21, $0x1FE00;
	v15 =	vld [tilespmem:s20+$0x270]  }
0x47: {  	v16 =	vld [tilespmem:s20+$0x10200];
	v14 =	vmul.f32 v14, v14;
	v9 =	vsub.f32 v5, v9;
	v7 =	vadd.f32 v13, v7  }
0x48: {  	v13 =	vld [tilespmem:s20+$0x240]  }
.Ltmp1:
0x49: {  	v5 =	vld [tilespmem:s20+$0x10210];
	v10 =	vadd.f32 v14, v10;
	v14 =	vmul.f32 v9, v9;
	v11 =	vsub.f32 v8, v11;
	(pc) =	sbr.rel @p0 .LBB2_4-.Ltmp1, $4  }
0x4a: {  	v9 =	vld [tilespmem:s20+$0x250]  }
0x4b: {  	v8 =	vld [tilespmem:s20+$0x10220];
	v15 =	vsub.f32 v12, v15;
	v6 =	vadd.f32 v14, v6;
	v17 =	vmul.f32 v11, v11  }
0x4c: {  	v11 =	vld [tilespmem:s20+$0x260];
	s20 =	sshra.s32 s21, $0x2  }
0x4d: {  	s21 =	sadd.s32 $0x200, s21;
	v12 =	vld [tilespmem:s20+$0x10230];
	v14 =	vsub.f32 v16, v13;
	v13 =	vmul.f32 v15, v15;
	v4 =	vadd.f32 v17, v4  }
0x4e: {  	v15 =	vld [tilespmem:s20+$0x270]  }
0x4f: {  	v16 =	vld [tilespmem:s20+$0x10200]  }
0x50: {  	v17 =	vld [tilespmem:s20+$0x240]  }
0x51: {  	v18 =	vld [tilespmem:s20+$0x10210]  }
0x52: {  	v19 =	vld [tilespmem:s20+$0x250]  }
0x53: {  	v20 =	vld [tilespmem:s20+$0x10220]  }
0x54: {  	v21 =	vld [tilespmem:s20+$0x260]  }
0x55: {  	v14 =	vmul.f32 v14, v14  }
0x56: {  	v5 =	vsub.f32 v5, v9;
	v7 =	vadd.f32 v13, v7  }
0x57: {  	v51 =	vadd.f32 v14, v10;
	v8 =	vsub.f32 v8, v11  }
0x58: {  	v5 =	vmul.f32 v5, v5;
	v52 =	vsub.f32 v12, v15;
	v53 =	vsub.f32 v16, v17  }
0x59: {  	v8 =	vmul.f32 v8, v8;
	v54 =	vsub.f32 v18, v19;
	v55 =	vsub.f32 v20, v21  }
0x5a: {  	v5 =	vadd.f32 v5, v6;
	v56 =	vmul.f32 v52, v52;
	v57 =	vmul.f32 v53, v53  }
0x5b: {  	v4 =	vadd.f32 v8, v4;
	v58 =	vmul.f32 v54, v54;
	v59 =	vmul.f32 v55, v55  }
0x5c: {  	v6 =	vadd.f32 v56, v7;
	v60 =	vadd.f32 v57, v51  }
0x5d: {  	v5 =	vadd.f32 v58, v5;
	v4 =	vadd.f32 v59, v4  }
0x5e: {  	v1 =	vadd.f32 v2, v1;
	v0 =	vadd.f32 v0, v3  }
0x5f: {  	v61 =	vadd.f32 v5, v60;
	v62 =	vadd.f32 v6, v4;
	_ =	sdelay $0x1  }
0x60: {  	v0 =	vadd.f32 v0, v1;
	v63 =	vadd.f32 v62, v61;
	_ =	sdelay $0x1  }
0x61: {  	s19 =	sadd.s32 $0x1, s19;
	v0 =	vadd.f32 v63, v0  }
0x62: {  	p0 =	sne.s32 s19, s8  }
.Ltmp2:
0x63: {  	[tilespmem:$0x18200] =	vst v0;
	(pc) =	sbr.rel @p0 .LBB2_1-.Ltmp2, $4  }
0x64: {  	[hbm4b:s7+s3] =	stream.linear.scatter [tilespmem:s17], [sflag:$0x5], $0x80, $0x38;
	[tilespmem:$0x18280] =	vst v63  }
0x65: {  	_ =	swait.ge [sflag:s18], $0x80  }
0x66: {  	[sflag:s18] =	ssyncset.done $0x0  }
0x67: {  	[sflag:s18] =	ssyncadd.s32 $0xFFFFFF80  }
0x68: {  	_ =	sfence.sel $0x180000  }
0x69: {  	[bflag:$0x0] =	sbarrier.arrive $0xFFFF  }
0x6a: {  	p0 =	sne.s32 s2, $0x0;
	_ =	strace $0x90000047  }
0x6b: {  	s0 =	sadd.s32 @!p0 $0x100000, s0;
	[bflag:$0x2] =	sbarrier.arrive $0xFFFF  }
0x6c: {  	[sflag:s0] =	ssyncadd.tile.s32 @!p0 $0x1;
	_ =	shalt  }
.Lfunc_end2:
_tile_overlayer_lowered:
.L_overlay_start_2:
0x6d: {  	(tag) =	ssettag $0x2  }
0x6e: {  	s0 =	rddreg [dreg:$0x0];
	s2 =	stileid.u32  }
0x6f: {  	s1 =	rddreg [dreg:$0x1];
	p0 =	sne.s32 s2, $0x0  }
0x70: {  	s3 =	rddreg [dreg:$0x2];
	[bflag:$0x3] =	sbarrier.arrive $0xFFFF;
	s2 =	simm.s32 @!p0 $0x1C05  }
0x71: {  	[timem:s3], [sflag:s2] =	dma.local @!p0 [hbm:s0], s1  }
0x72: {  	s0 =	simm.s32 @!p0 $0x5  }
0x73: {  	_ =	swait.ge @!p0 [sflag:s0], s1  }
0x74: {  	s1 =	ssub.s32 @!p0 $0x0, s1;
	[sflag:s0] =	ssyncset.done @!p0 $0x0  }
0x75: {  	[sflag:s0] =	ssyncadd.s32 @!p0 s1  }
0x76: {  	[bflag:$0x3] =	sbarrier.arrive $0xFFFF  }
0x77: {  	_ =	shalt  }

</sc_bundles>
